<compile_context>
chip_gen: v7x
topology: tpu7x:2x2x1
jax: 0.10.2.dev20260603
libtpu: 0.0.44.dev20260713+nightly
codegen_flags: <defaults>
</compile_context>

<pallas_src>
import math

import jax
import jax.numpy as jnp
from jax import lax
from jax.experimental import pallas as pl
from jax.experimental.pallas import tpu as pltpu
from jax.experimental.pallas import tpu_sc as plsc

D_MODEL = 768
N_EXPERTS = 8
D_FF = 4 * D_MODEL
VOCAB = 256
T_SEQ = 2048
TOL = 0.15


T_BLK = 512
_PI = math.pi
_HALF_PI = math.pi / 2
_SIN_C = (0.9999999998895754, -0.16666666541211608, 0.008333329259275685,
          -0.0001984070238109481, 2.7518836060965494e-06,
          -2.3794424157310798e-08)
_COS_C = (0.9999999999992444, -0.499999999970178, 0.04166666647310349,
          -0.001388888417524428, 2.4801040276741908e-05,
          -2.752468296544026e-07, 1.990767507756418e-09)


def _sc_gather_body(idx_hbm, table_hbm, out_hbm, idx_v, rows_v, sem):
    wid = lax.axis_index("s") * 2 + lax.axis_index("c")
    base = wid * (T_SEQ // 32)
    pltpu.sync_copy(idx_hbm.at[pl.ds(base, T_SEQ // 32)], idx_v)
    pltpu.async_copy(table_hbm.at[idx_v], rows_v, sem).wait()
    pltpu.sync_copy(rows_v, out_hbm.at[pl.ds(base, T_SEQ // 32)])


def _pre_body(x_ref, phiw_ref, phib_ref, ampw_ref, ampb_ref,
              rw_ref, rb_ref,
              ybf_ref, gates_ref, state_ref,
              a_ref, s_ref, g_ref, st_ref, y_ref):
    i = pl.program_id(0)
    x = x_ref[:, :]

    raw = jnp.dot(x, phiw_ref[:, :],
                  preferred_element_type=jnp.float32) + phib_ref[:, :]
    ang = jnp.tanh(raw) * math.pi
    step = math.pi / 9.0
    v = ang * (1.0 / step)
    harm = jnp.floor(v + 0.5) * step
    ang = jnp.where(jnp.abs(ang - harm) < TOL, harm, ang)
    absa = jnp.abs(ang)
    red = jnp.where(absa > _HALF_PI, jnp.sign(ang) * _PI - ang, ang)
    z = red * red
    sp = _SIN_C[5]
    for c in (_SIN_C[4], _SIN_C[3], _SIN_C[2], _SIN_C[1], _SIN_C[0]):
        sp = sp * z + c
    sn = sp * red
    cp = _COS_C[6]
    for c in (_COS_C[5], _COS_C[4], _COS_C[3], _COS_C[2], _COS_C[1],
              _COS_C[0]):
        cp = cp * z + c
    cs = jnp.where(absa > _HALF_PI, -cp, cp)
    a_ref[:, :] = cs + sn
    s_ref[:, :] = sn
    g_ref[:, :] = jax.nn.sigmoid(
        jnp.dot(x, ampw_ref[:, :], preferred_element_type=jnp.float32) + ampb_ref[:, :])

    @pl.when(i == 0)
    def _init_state():
        st_ref[:, :] = jnp.zeros((1, D_MODEL), jnp.float32)

    def body(t, st):
        new = jnp.clip(a_ref[pl.ds(t, 1), :] * st - s_ref[pl.ds(t, 1), :],
                       -1.0, 1.0)
        y_ref[pl.ds(t, 1), :] = g_ref[pl.ds(t, 1), :] * new
        return new

    st_ref[:, :] = lax.fori_loop(0, T_BLK, body, st_ref[:, :])

    @pl.when(i == pl.num_programs(0) - 1)
    def _emit_state():
        state_ref[:, :] = st_ref[:, :]

    y = y_ref[:, :]
    ybf_ref[:, :] = y.astype(jnp.bfloat16)

    lg = jnp.dot(y, rw_ref[:, :],
                 preferred_element_type=jnp.float32) + rb_ref[:, :]
    m1 = jnp.max(lg, axis=1, keepdims=True)
    masked = jnp.where(lg >= m1, -jnp.inf, lg)
    m2 = jnp.max(masked, axis=1, keepdims=True)
    g1 = 1.0 / (1.0 + jnp.exp(m2 - m1))
    gates_ref[:, :] = jnp.where(lg >= m1, g1,
                                jnp.where(lg >= m2, 1.0 - g1, 0.0))


FF_BLK = 3072


def _moe_body(ybf_ref, gates_ref, w1_ref, b1_ref, w2_ref, b2_ref,
              hw_ref, hb_ref, logits_ref, acc_ref):
    e = pl.program_id(0)
    f = pl.program_id(1)

    @pl.when(jnp.logical_and(e == 0, f == 0))
    def _init():
        acc_ref[:, :] = jnp.zeros_like(acc_ref)

    xb = ybf_ref[:, :]
    sub = 768
    n_sub = FF_BLK // sub
    part = None
    for u in range(n_sub):
        w1b = w1_ref[0, :, u * sub:(u + 1) * sub].astype(jnp.bfloat16)
        h = jnp.dot(xb, w1b, preferred_element_type=jnp.float32)
        h = (h + b1_ref[0, :, u * sub:(u + 1) * sub]).astype(jnp.bfloat16)
        h = jax.nn.gelu(h)
        w2b = w2_ref[0, u * sub:(u + 1) * sub, :].astype(jnp.bfloat16)
        p = jnp.dot(h, w2b, preferred_element_type=jnp.float32)
        part = p if part is None else part + p

    lane = lax.broadcasted_iota(jnp.int32, (T_SEQ, N_EXPERTS), 1)
    gate = jnp.sum(jnp.where(lane == e, gates_ref[:, :], 0.0), axis=1,
                   keepdims=True)

    @pl.when(f == 0)
    def _bias():
        acc_ref[:, :] += gate * (part + b2_ref[0, :, :])

    @pl.when(f != 0)
    def _nobias():
        acc_ref[:, :] += gate * part

    @pl.when(jnp.logical_and(e == pl.num_programs(0) - 1,
                             f == pl.num_programs(1) - 1))
    def _head():
        ob = acc_ref[:, :].astype(jnp.bfloat16)
        logits_ref[:, :] = (jnp.dot(ob, hw_ref[:, :],
                                    preferred_element_type=jnp.float32)
                            + hb_ref[:, :])


def kernel(byte_seq, emb, phi_w, phi_b, amp_w, amp_b, router_w, router_b,
           w1, b1, w2, b2, head_w, head_b):
    f32 = jnp.float32

    x = pl.kernel(
        _sc_gather_body,
        mesh=plsc.VectorSubcoreMesh(core_axis_name="c", subcore_axis_name="s"),
        out_type=jax.ShapeDtypeStruct((T_SEQ, D_MODEL), f32),
        scratch_types=[
            pltpu.VMEM((T_SEQ // 32,), jnp.int32),
            pltpu.VMEM((T_SEQ // 32, D_MODEL), f32),
            pltpu.SemaphoreType.DMA,
        ],
    )(byte_seq.reshape(T_SEQ).astype(jnp.int32), emb)

    n_tb = T_SEQ // T_BLK
    ybf, gates, state = pl.pallas_call(
        _pre_body,
        grid=(n_tb,),
        in_specs=[
            pl.BlockSpec((T_BLK, D_MODEL), lambda i: (i, 0)),
            pl.BlockSpec((D_MODEL, D_MODEL), lambda i: (0, 0)),
            pl.BlockSpec((1, D_MODEL), lambda i: (0, 0)),
            pl.BlockSpec((D_MODEL, D_MODEL), lambda i: (0, 0)),
            pl.BlockSpec((1, D_MODEL), lambda i: (0, 0)),
            pl.BlockSpec((D_MODEL, N_EXPERTS), lambda i: (0, 0)),
            pl.BlockSpec((1, N_EXPERTS), lambda i: (0, 0)),
        ],
        out_specs=[
            pl.BlockSpec((T_BLK, D_MODEL), lambda i: (i, 0)),
            pl.BlockSpec((T_BLK, N_EXPERTS), lambda i: (i, 0)),
            pl.BlockSpec((1, D_MODEL), lambda i: (0, 0)),
        ],
        out_shape=[
            jax.ShapeDtypeStruct((T_SEQ, D_MODEL), jnp.bfloat16),
            jax.ShapeDtypeStruct((T_SEQ, N_EXPERTS), f32),
            jax.ShapeDtypeStruct((1, D_MODEL), f32),
        ],
        scratch_shapes=[
            pltpu.VMEM((T_BLK, D_MODEL), f32),
            pltpu.VMEM((T_BLK, D_MODEL), f32),
            pltpu.VMEM((T_BLK, D_MODEL), f32),
            pltpu.VMEM((1, D_MODEL), f32),
            pltpu.VMEM((T_BLK, D_MODEL), f32),
        ],
        compiler_params=pltpu.CompilerParams(
            dimension_semantics=("arbitrary",),
            vmem_limit_bytes=100 * 2**20,
        ),
    )(x, phi_w, phi_b.reshape(1, D_MODEL),
      amp_w, amp_b.reshape(1, D_MODEL),
      router_w, router_b.reshape(1, N_EXPERTS))

    ff_blk = FF_BLK
    n_ff = D_FF // ff_blk
    logits = pl.pallas_call(
        _moe_body,
        grid=(N_EXPERTS, n_ff),
        in_specs=[
            pl.BlockSpec((T_SEQ, D_MODEL), lambda e, f: (0, 0)),
            pl.BlockSpec((T_SEQ, N_EXPERTS), lambda e, f: (0, 0)),
            pl.BlockSpec((1, D_MODEL, ff_blk), lambda e, f: (e, 0, f)),
            pl.BlockSpec((1, 1, ff_blk), lambda e, f: (e, 0, f)),
            pl.BlockSpec((1, ff_blk, D_MODEL), lambda e, f: (e, f, 0)),
            pl.BlockSpec((1, 1, D_MODEL), lambda e, f: (e, 0, 0)),
            pl.BlockSpec((D_MODEL, VOCAB), lambda e, f: (0, 0)),
            pl.BlockSpec((1, VOCAB), lambda e, f: (0, 0)),
        ],
        out_specs=pl.BlockSpec((T_SEQ, VOCAB), lambda e, f: (0, 0)),
        out_shape=jax.ShapeDtypeStruct((T_SEQ, VOCAB), f32),
        scratch_shapes=[pltpu.VMEM((T_SEQ, D_MODEL), f32)],
        compiler_params=pltpu.CompilerParams(
            dimension_semantics=("arbitrary", "arbitrary"),
            vmem_limit_bytes=100 * 2**20,
        ),
    )(ybf, gates, w1, b1.reshape(N_EXPERTS, 1, D_FF), w2,
      b2.reshape(N_EXPERTS, 1, D_MODEL),
      head_w.astype(jnp.bfloat16), head_b.reshape(1, VOCAB))

    entropy_loss = jnp.zeros((), f32)
    return logits.reshape(1, T_SEQ, VOCAB), state, entropy_loss

# --- scband reference (transcript-rebuilt; emitter-appended) ---
"""Pipeline reference for scband-sovereign-leviathan-v2-63307817943081 (READ-ONLY COPY).

The authoritative reference and input builder live on the scoring server;
editing this copy changes nothing except your own understanding.
"""

import jax, jax.numpy as jnp
import numpy as np
import math

D_MODEL = 768
N_EXPERTS = 8
D_FF = 4 * D_MODEL
VOCAB = 256
B, T = 1, 2048
TOP_K = 2
TOL = 0.15


def setup_inputs(seed: int = 0) -> dict:
    key = jax.random.key(seed)
    ks = jax.random.split(key, 16)
    s = 1.0 / math.sqrt(D_MODEL)
    return {
        "byte_seq": jax.random.randint(ks[0], (B, T), 0, VOCAB),
        "emb": jax.random.normal(ks[1], (VOCAB, D_MODEL), dtype=jnp.float32) * 0.02,
        "phi_w": jax.random.normal(ks[2], (D_MODEL, D_MODEL), dtype=jnp.float32) * s,
        "phi_b": jnp.zeros((D_MODEL,), jnp.float32),
        "amp_w": jax.random.normal(ks[3], (D_MODEL, D_MODEL), dtype=jnp.float32) * s,
        "amp_b": jnp.zeros((D_MODEL,), jnp.float32),
        "router_w": jax.random.normal(ks[4], (D_MODEL, N_EXPERTS), dtype=jnp.float32) * s,
        "router_b": jnp.zeros((N_EXPERTS,), jnp.float32),
        "w1": jax.random.normal(ks[5], (N_EXPERTS, D_MODEL, D_FF), dtype=jnp.float32) * s,
        "b1": jnp.zeros((N_EXPERTS, D_FF), jnp.float32),
        "w2": jax.random.normal(ks[6], (N_EXPERTS, D_FF, D_MODEL), dtype=jnp.float32) * (1.0 / math.sqrt(D_FF)),
        "b2": jnp.zeros((N_EXPERTS, D_MODEL), jnp.float32),
        "head_w": jax.random.normal(ks[7], (D_MODEL, VOCAB), dtype=jnp.float32) * s,
        "head_b": jnp.zeros((VOCAB,), jnp.float32),
    }


def _tesla_gate(angle):
    # TeslaHarmonicGate(tolerance=0.15): snap angles that lie within `tolerance`
    # of a pi/9 harmonic (3-6-9 harmonic lattice) onto the harmonic, else pass through.
    step = math.pi / 9.0
    harmonic = jnp.round(angle / step) * step
    return jnp.where(jnp.abs(angle - harmonic) < TOL, harmonic, angle)


def _toroidal(x, phi_w, phi_b, amp_w, amp_b):
    Bb, Tt, C = x.shape
    state0 = jnp.zeros((Bb, C), x.dtype)

    def step(state, xt):
        raw_angle = jnp.tanh(xt @ phi_w + phi_b) * math.pi
        angle = _tesla_gate(raw_angle)
        new_state = jnp.cos(angle) * state - jnp.sin(angle) * (1.0 - state)
        new_state = jnp.clip(new_state, -1.0, 1.0)
        gated = jax.nn.sigmoid(xt @ amp_w + amp_b) * new_state
        return new_state, gated

    final_state, outs = jax.lax.scan(step, state0, jnp.transpose(x, (1, 0, 2)))
    return jnp.transpose(outs, (1, 0, 2)), final_state


def _moe(x, router_w, router_b, w1, b1, w2, b2):
    # OuroborosMoELayer: top-2 softmax routing over N_EXPERTS gelu-FFN experts
    # (dense dispatch formulation: every expert computed, gated combine).
    Bb, Tt, C = x.shape
    xt = x.reshape(-1, C)
    logits = xt @ router_w + router_b
    probs = jax.nn.softmax(logits, axis=-1)
    topv, topi = jax.lax.top_k(probs, TOP_K)
    topv = topv / jnp.sum(topv, axis=-1, keepdims=True)
    gates = jnp.zeros_like(probs).at[jnp.arange(xt.shape[0])[:, None], topi].add(topv)
    h = jax.nn.gelu(jnp.einsum('nc,ecf->nef', xt, w1) + b1[None])
    eo = jnp.einsum('nef,efc->nec', h, w2) + b2[None]
    out = jnp.sum(eo * gates[..., None], axis=1)
    return out.reshape(Bb, Tt, C)


def reference(byte_seq, emb, phi_w, phi_b, amp_w, amp_b, router_w, router_b, w1, b1, w2, b2, head_w, head_b):
    x = emb[byte_seq]
    x, next_state = _toroidal(x, phi_w, phi_b, amp_w, amp_b)
    moe_out = _moe(x, router_w, router_b, w1, b1, w2, b2)
    logits = moe_out @ head_w + head_b
    entropy_loss = jnp.array(0.0, jnp.float32)
    return logits, next_state, entropy_loss

if __name__ == "__main__":
    import jax
    _d = setup_inputs()
    print(jax.jit(kernel)(*tuple(_d.values())))

</pallas_src>

<mosaic_0001>
#map = affine_map<(d0, d1) -> (0)>
#map1 = affine_map<(d0, d1) -> (0, 0)>
module attributes {stable_mosaic.version = 14 : i64} {
  func.func @_sc_gather_body(%arg0: i32, %arg1: i32, %arg2: memref<2048xi32, #tpu.memory_space<hbm>>, %arg3: memref<256x768xf32, #tpu.memory_space<hbm>>, %arg4: memref<2048x768xf32, #tpu.memory_space<hbm>>, %arg5: memref<64xi32, #tpu.memory_space<vmem>>, %arg6: memref<64x768xf32, #tpu.memory_space<vmem>>, %arg7: memref<!tpu.dma_semaphore, #tpu.memory_space<semaphore_mem>>) attributes {dimension_semantics = [#tpu.dimension_semantics<core_parallel>, #tpu.dimension_semantics<subcore_parallel>], iteration_bounds = array<i64: 2, 16>, scalar_prefetch = 0 : i64, scratch_operands = 3 : i64, tpu.core_type = #tpu.core_type<sc_vector_subcore>, window_params = [{transform_indices = #map}, {transform_indices = #map1}, {transform_indices = #map1}]} {
    %mul3A = arith.constant 2 : i32
    %mul3A_0 = arith.muli %arg1, %mul3A : i32
    %add3A = arith.addi %mul3A_0, %arg0 : i32
    %mul3A_1 = arith.constant 64 : i32
    %mul3A_2 = arith.muli %add3A, %mul3A_1 : i32
    "tpu.region"() ({
      %run_scoped3A = tpu.sem_alloc : memref<!tpu.dma_semaphore, #tpu.memory_space<semaphore_mem>>
      %dma_start3A_7 = tpu.memref_slice %arg2[%mul3A_2] : memref<2048xi32, #tpu.memory_space<hbm>> -> memref<64xi32, #tpu.memory_space<hbm>>
      %dma_start3A_8 = tpu.memref_slice %arg2[%mul3A_2] : memref<2048xi32, #tpu.memory_space<hbm>> -> memref<64xi32, #tpu.memory_space<hbm>>
      tpu.enqueue_dma source(%dma_start3A_8 : memref<64xi32, #tpu.memory_space<hbm>>) target(%arg5 : memref<64xi32, #tpu.memory_space<vmem>>) target_semaphore(%run_scoped3A : memref<!tpu.dma_semaphore, #tpu.memory_space<semaphore_mem>>)
      %dma_wait3A_9 = tpu.memref_slice %arg2[%mul3A_2] : memref<2048xi32, #tpu.memory_space<hbm>> -> memref<64xi32, #tpu.memory_space<hbm>>
      %dma_wait3A_10 = tpu.memref_slice %arg2[%mul3A_2] : memref<2048xi32, #tpu.memory_space<hbm>> -> memref<64xi32, #tpu.memory_space<hbm>>
      tpu.wait_dma2 semaphore(%run_scoped3A : memref<!tpu.dma_semaphore, #tpu.memory_space<semaphore_mem>>) src(%dma_wait3A_10 : memref<64xi32, #tpu.memory_space<hbm>>) dst(%arg5 : memref<64xi32, #tpu.memory_space<vmem>>)
      tpu.yield
    }) : () -> ()
    %dma_start3A = arith.constant 0 : i32
    %dma_start3A_3 = arith.constant 0 : i32
    %dma_start3A_4 = tpu.memref_slice %arg3[%dma_start3A, %dma_start3A_3] : memref<256x768xf32, #tpu.memory_space<hbm>> -> memref<256x768xf32, #tpu.memory_space<hbm>>
    tpu.enqueue_indirect_dma source(%dma_start3A_4 : memref<256x768xf32, #tpu.memory_space<hbm>>) target(%arg6 : memref<64x768xf32, #tpu.memory_space<vmem>>) offsets(%arg5 : memref<64xi32, #tpu.memory_space<vmem>>) semaphore(%arg7 : memref<!tpu.dma_semaphore, #tpu.memory_space<semaphore_mem>>)
    %dma_wait3A = arith.constant 0 : i32
    %dma_wait3A_5 = arith.constant 0 : i32
    %dma_wait3A_6 = tpu.memref_slice %arg3[%dma_wait3A, %dma_wait3A_5] : memref<256x768xf32, #tpu.memory_space<hbm>> -> memref<256x768xf32, #tpu.memory_space<hbm>>
    tpu.wait_indirect_dma semaphore(%arg7 : memref<!tpu.dma_semaphore, #tpu.memory_space<semaphore_mem>>) src(%dma_wait3A_6 : memref<256x768xf32, #tpu.memory_space<hbm>>) dst(%arg6 : memref<64x768xf32, #tpu.memory_space<vmem>>)
    "tpu.region"() ({
      %run_scoped3A = tpu.sem_alloc : memref<!tpu.dma_semaphore, #tpu.memory_space<semaphore_mem>>
      %dma_start3A_7 = arith.constant 0 : i32
      %dma_start3A_8 = tpu.memref_slice %arg4[%mul3A_2, %dma_start3A_7] : memref<2048x768xf32, #tpu.memory_space<hbm>> -> memref<64x768xf32, #tpu.memory_space<hbm>>
      %dma_start3A_9 = arith.constant 0 : i32
      %dma_start3A_10 = tpu.memref_slice %arg4[%mul3A_2, %dma_start3A_9] : memref<2048x768xf32, #tpu.memory_space<hbm>> -> memref<64x768xf32, #tpu.memory_space<hbm>>
      tpu.enqueue_dma source(%arg6 : memref<64x768xf32, #tpu.memory_space<vmem>>) target(%dma_start3A_10 : memref<64x768xf32, #tpu.memory_space<hbm>>) target_semaphore(%run_scoped3A : memref<!tpu.dma_semaphore, #tpu.memory_space<semaphore_mem>>)
      %dma_wait3A_11 = arith.constant 0 : i32
      %dma_wait3A_12 = tpu.memref_slice %arg4[%mul3A_2, %dma_wait3A_11] : memref<2048x768xf32, #tpu.memory_space<hbm>> -> memref<64x768xf32, #tpu.memory_space<hbm>>
      %dma_wait3A_13 = arith.constant 0 : i32
      %dma_wait3A_14 = tpu.memref_slice %arg4[%mul3A_2, %dma_wait3A_13] : memref<2048x768xf32, #tpu.memory_space<hbm>> -> memref<64x768xf32, #tpu.memory_space<hbm>>
      tpu.wait_dma2 semaphore(%run_scoped3A : memref<!tpu.dma_semaphore, #tpu.memory_space<semaphore_mem>>) src(%arg6 : memref<64x768xf32, #tpu.memory_space<vmem>>) dst(%dma_wait3A_14 : memref<64x768xf32, #tpu.memory_space<hbm>>)
      tpu.yield
    }) : () -> ()
    return
  }
}

module attributes {stable_mosaic.version = 14 : i64} {
  func.func @_pre_body(%arg0: i32, %arg1: memref<512x768xf32, #tpu.memory_space<vmem>>, %arg2: memref<768x768xf32, #tpu.memory_space<vmem>>, %arg3: memref<1x768xf32, #tpu.memory_space<vmem>>, %arg4: memref<768x768xf32, #tpu.memory_space<vmem>>, %arg5: memref<1x768xf32, #tpu.memory_space<vmem>>, %arg6: memref<768x8xf32, #tpu.memory_space<vmem>>, %arg7: memref<1x8xf32, #tpu.memory_space<vmem>>, %arg8: memref<512x768xbf16, #tpu.memory_space<vmem>>, %arg9: memref<512x8xf32, #tpu.memory_space<vmem>>, %arg10: memref<1x768xf32, #tpu.memory_space<vmem>>, %arg11: memref<512x768xf32, #tpu.memory_space<vmem>>, %arg12: memref<512x768xf32, #tpu.memory_space<vmem>>, %arg13: memref<512x768xf32, #tpu.memory_space<vmem>>, %arg14: memref<1x768xf32, #tpu.memory_space<vmem>>, %arg15: memref<512x768xf32, #tpu.memory_space<vmem>>) attributes {dimension_semantics = [#tpu.dimension_semantics<arbitrary>], iteration_bounds = array<i64: 4>, scalar_prefetch = 0 : i64, scratch_operands = 5 : i64, tpu.core_type = #tpu.core_type<tc>, window_params = [{transform_indices = @transform_0, window_bounds = array<i64: 512, 768>}, {pipeline_mode = #tpu.pipeline_mode<synchronous>, transform_indices = @transform_1, window_bounds = array<i64: 768, 768>}, {pipeline_mode = #tpu.pipeline_mode<synchronous>, transform_indices = @transform_2, window_bounds = array<i64: 1, 768>}, {pipeline_mode = #tpu.pipeline_mode<synchronous>, transform_indices = @transform_3, window_bounds = array<i64: 768, 768>}, {pipeline_mode = #tpu.pipeline_mode<synchronous>, transform_indices = @transform_4, window_bounds = array<i64: 1, 768>}, {pipeline_mode = #tpu.pipeline_mode<synchronous>, transform_indices = @transform_5, window_bounds = array<i64: 768, 8>}, {pipeline_mode = #tpu.pipeline_mode<synchronous>, transform_indices = @transform_6, window_bounds = array<i64: 1, 8>}, {transform_indices = @transform_7, window_bounds = array<i64: 512, 768>}, {transform_indices = @transform_8, window_bounds = array<i64: 512, 8>}, {pipeline_mode = #tpu.pipeline_mode<synchronous>, transform_indices = @transform_9, window_bounds = array<i64: 1, 768>}]} {
    %get3A = arith.constant 0 : index
    %get3A_0 = arith.constant 0 : index
    %get3A_1 = vector.load %arg1[%get3A, %get3A_0] : memref<512x768xf32, #tpu.memory_space<vmem>>, vector<512x768xf32>
    %get3A_2 = arith.constant 0 : index
    %get3A_3 = arith.constant 0 : index
    %get3A_4 = vector.load %arg2[%get3A_2, %get3A_3] : memref<768x768xf32, #tpu.memory_space<vmem>>, vector<768x768xf32>
    %dot_general3A = arith.constant dense<0.000000e+00> : vector<512x768xf32>
    %dot_general3A_5 = tpu.matmul %get3A_1, %get3A_4, %dot_general3A {dimension_numbers = #tpu.dot_dimension_numbers<[1], [0], [0], [1], [0, 0, 1, 1], [], []>, transpose_lhs_hint = false} : vector<512x768xf32>, vector<768x768xf32>, vector<512x768xf32> -> vector<512x768xf32>
    %get3A_6 = arith.constant 0 : index
    %get3A_7 = arith.constant 0 : index
    %get3A_8 = vector.load %arg3[%get3A_6, %get3A_7] : memref<1x768xf32, #tpu.memory_space<vmem>>, vector<1x768xf32>
    %add3A = vector.broadcast %get3A_8 : vector<1x768xf32> to vector<512x768xf32>
    %add3A_9 = arith.addf %dot_general3A_5, %add3A : vector<512x768xf32>
    %tanh3A = math.tanh %add3A_9 : vector<512x768xf32>
    %mul3A = arith.constant 3.14159274 : f32
    %mul3A_10 = vector.broadcast %mul3A : f32 to vector<512x768xf32>
    %mul3A_11 = arith.mulf %tanh3A, %mul3A_10 : vector<512x768xf32>
    %mul3A_12 = arith.constant 2.86478901 : f32
    %mul3A_13 = vector.broadcast %mul3A_12 : f32 to vector<512x768xf32>
    %mul3A_14 = arith.mulf %mul3A_11, %mul3A_13 : vector<512x768xf32>
    %add3A_15 = arith.constant 5.000000e-01 : f32
    %add3A_16 = vector.broadcast %add3A_15 : f32 to vector<512x768xf32>
    %add3A_17 = arith.addf %mul3A_14, %add3A_16 : vector<512x768xf32>
    %floor3A = math.floor %add3A_17 : vector<512x768xf32>
    %mul3A_18 = arith.constant 0.34906584 : f32
    %mul3A_19 = vector.broadcast %mul3A_18 : f32 to vector<512x768xf32>
    %mul3A_20 = arith.mulf %floor3A, %mul3A_19 : vector<512x768xf32>
    %sub3A = arith.subf %mul3A_11, %mul3A_20 : vector<512x768xf32>
    %abs3A = math.absf %sub3A : vector<512x768xf32>
    %lt3A = arith.constant 1.500000e-01 : f32
    %lt3A_21 = vector.broadcast %lt3A : f32 to vector<512x768xf32>
    %lt3A_22 = arith.cmpf olt, %abs3A, %lt3A_21 : vector<512x768xf32>
    %select_n3A = arith.select %lt3A_22, %mul3A_20, %mul3A_11 : vector<512x768xi1>, vector<512x768xf32>
    %abs3A_23 = math.absf %select_n3A : vector<512x768xf32>
    %gt3A = arith.constant 1.57079637 : f32
    %gt3A_24 = vector.broadcast %gt3A : f32 to vector<512x768xf32>
    %gt3A_25 = arith.cmpf ogt, %abs3A_23, %gt3A_24 : vector<512x768xf32>
    %sign3A = tpu.bitcast %select_n3A : vector<512x768xf32> -> vector<512x768xi32>
    %sign3A_26 = arith.constant -2147483648 : i32
    %sign3A_27 = vector.broadcast %sign3A_26 : i32 to vector<512x768xi32>
    %sign3A_28 = arith.andi %sign3A, %sign3A_27 : vector<512x768xi32>
    %sign3A_29 = arith.constant 1065353216 : i32
    %sign3A_30 = vector.broadcast %sign3A_29 : i32 to vector<512x768xi32>
    %sign3A_31 = arith.ori %sign3A_30, %sign3A_28 : vector<512x768xi32>
    %sign3A_32 = tpu.bitcast %sign3A_31 : vector<512x768xi32> -> vector<512x768xf32>
    %sign3A_33 = math.absf %select_n3A : vector<512x768xf32>
    %sign3A_34 = arith.constant 0.000000e+00 : f32
    %sign3A_35 = vector.broadcast %sign3A_34 : f32 to vector<512x768xf32>
    %sign3A_36 = arith.cmpf ogt, %sign3A_33, %sign3A_35 : vector<512x768xf32>
    %sign3A_37 = arith.select %sign3A_36, %sign3A_32, %select_n3A : vector<512x768xi1>, vector<512x768xf32>
    %mul3A_38 = arith.constant 3.14159274 : f32
    %mul3A_39 = vector.broadcast %mul3A_38 : f32 to vector<512x768xf32>
    %mul3A_40 = arith.mulf %sign3A_37, %mul3A_39 : vector<512x768xf32>
    %sub3A_41 = arith.subf %mul3A_40, %select_n3A : vector<512x768xf32>
    %select_n3A_42 = arith.select %gt3A_25, %sub3A_41, %select_n3A : vector<512x768xi1>, vector<512x768xf32>
    %mul3A_43 = arith.mulf %select_n3A_42, %select_n3A_42 : vector<512x768xf32>
    %mul3A_44 = arith.constant -2.37944242E-8 : f32
    %mul3A_45 = vector.broadcast %mul3A_44 : f32 to vector<512x768xf32>
    %mul3A_46 = arith.mulf %mul3A_45, %mul3A_43 : vector<512x768xf32>
    %add3A_47 = arith.constant 2.75188359E-6 : f32
    %add3A_48 = vector.broadcast %add3A_47 : f32 to vector<512x768xf32>
    %add3A_49 = arith.addf %mul3A_46, %add3A_48 : vector<512x768xf32>
    %mul3A_50 = arith.mulf %add3A_49, %mul3A_43 : vector<512x768xf32>
    %add3A_51 = arith.constant -1.98407026E-4 : f32
    %add3A_52 = vector.broadcast %add3A_51 : f32 to vector<512x768xf32>
    %add3A_53 = arith.addf %mul3A_50, %add3A_52 : vector<512x768xf32>
    %mul3A_54 = arith.mulf %add3A_53, %mul3A_43 : vector<512x768xf32>
    %add3A_55 = arith.constant 0.00833332911 : f32
    %add3A_56 = vector.broadcast %add3A_55 : f32 to vector<512x768xf32>
    %add3A_57 = arith.addf %mul3A_54, %add3A_56 : vector<512x768xf32>
    %mul3A_58 = arith.mulf %add3A_57, %mul3A_43 : vector<512x768xf32>
    %add3A_59 = arith.constant -0.166666672 : f32
    %add3A_60 = vector.broadcast %add3A_59 : f32 to vector<512x768xf32>
    %add3A_61 = arith.addf %mul3A_58, %add3A_60 : vector<512x768xf32>
    %mul3A_62 = arith.mulf %add3A_61, %mul3A_43 : vector<512x768xf32>
    %add3A_63 = arith.constant 1.000000e+00 : f32
    %add3A_64 = vector.broadcast %add3A_63 : f32 to vector<512x768xf32>
    %add3A_65 = arith.addf %mul3A_62, %add3A_64 : vector<512x768xf32>
    %mul3A_66 = arith.mulf %add3A_65, %select_n3A_42 : vector<512x768xf32>
    %mul3A_67 = arith.constant 1.99076755E-9 : f32
    %mul3A_68 = vector.broadcast %mul3A_67 : f32 to vector<512x768xf32>
    %mul3A_69 = arith.mulf %mul3A_68, %mul3A_43 : vector<512x768xf32>
    %add3A_70 = arith.constant -2.75246833E-7 : f32
    %add3A_71 = vector.broadcast %add3A_70 : f32 to vector<512x768xf32>
    %add3A_72 = arith.addf %mul3A_69, %add3A_71 : vector<512x768xf32>
    %mul3A_73 = arith.mulf %add3A_72, %mul3A_43 : vector<512x768xf32>
    %add3A_74 = arith.constant 2.48010401E-5 : f32
    %add3A_75 = vector.broadcast %add3A_74 : f32 to vector<512x768xf32>
    %add3A_76 = arith.addf %mul3A_73, %add3A_75 : vector<512x768xf32>
    %mul3A_77 = arith.mulf %add3A_76, %mul3A_43 : vector<512x768xf32>
    %add3A_78 = arith.constant -0.00138888846 : f32
    %add3A_79 = vector.broadcast %add3A_78 : f32 to vector<512x768xf32>
    %add3A_80 = arith.addf %mul3A_77, %add3A_79 : vector<512x768xf32>
    %mul3A_81 = arith.mulf %add3A_80, %mul3A_43 : vector<512x768xf32>
    %add3A_82 = arith.constant 0.0416666679 : f32
    %add3A_83 = vector.broadcast %add3A_82 : f32 to vector<512x768xf32>
    %add3A_84 = arith.addf %mul3A_81, %add3A_83 : vector<512x768xf32>
    %mul3A_85 = arith.mulf %add3A_84, %mul3A_43 : vector<512x768xf32>
    %add3A_86 = arith.constant -5.000000e-01 : f32
    %add3A_87 = vector.broadcast %add3A_86 : f32 to vector<512x768xf32>
    %add3A_88 = arith.addf %mul3A_85, %add3A_87 : vector<512x768xf32>
    %mul3A_89 = arith.mulf %add3A_88, %mul3A_43 : vector<512x768xf32>
    %add3A_90 = arith.constant 1.000000e+00 : f32
    %add3A_91 = vector.broadcast %add3A_90 : f32 to vector<512x768xf32>
    %add3A_92 = arith.addf %mul3A_89, %add3A_91 : vector<512x768xf32>
    %gt3A_93 = arith.constant 1.57079637 : f32
    %gt3A_94 = vector.broadcast %gt3A_93 : f32 to vector<512x768xf32>
    %gt3A_95 = arith.cmpf ogt, %abs3A_23, %gt3A_94 : vector<512x768xf32>
    %neg3A = arith.constant 0.000000e+00 : f32
    %neg3A_96 = vector.broadcast %neg3A : f32 to vector<512x768xf32>
    %neg3A_97 = arith.subf %neg3A_96, %add3A_92 : vector<512x768xf32>
    %select_n3A_98 = arith.select %gt3A_95, %neg3A_97, %add3A_92 : vector<512x768xi1>, vector<512x768xf32>
    %add3A_99 = arith.addf %select_n3A_98, %mul3A_66 : vector<512x768xf32>
    %swap3A = arith.constant 0 : index
    %swap3A_100 = arith.constant 0 : index
    %swap3A_101 = vector.load %arg11[%swap3A, %swap3A_100] : memref<512x768xf32, #tpu.memory_space<vmem>>, vector<512x768xf32>
    tpu.vector_store %arg11[%swap3A, %swap3A_100], %add3A_99 {strides = array<i32>} : memref<512x768xf32, #tpu.memory_space<vmem>>, vector<512x768xf32>,
    %swap3A_102 = arith.constant 0 : index
    %swap3A_103 = arith.constant 0 : index
    %swap3A_104 = vector.load %arg12[%swap3A_102, %swap3A_103] : memref<512x768xf32, #tpu.memory_space<vmem>>, vector<512x768xf32>
    tpu.vector_store %arg12[%swap3A_102, %swap3A_103], %mul3A_66 {strides = array<i32>} : memref<512x768xf32, #tpu.memory_space<vmem>>, vector<512x768xf32>,
    %get3A_105 = arith.constant 0 : index
    %get3A_106 = arith.constant 0 : index
    %get3A_107 = vector.load %arg4[%get3A_105, %get3A_106] : memref<768x768xf32, #tpu.memory_space<vmem>>, vector<768x768xf32>
    %dot_general3A_108 = arith.constant dense<0.000000e+00> : vector<512x768xf32>
    %dot_general3A_109 = tpu.matmul %get3A_1, %get3A_107, %dot_general3A_108 {dimension_numbers = #tpu.dot_dimension_numbers<[1], [0], [0], [1], [0, 0, 1, 1], [], []>, transpose_lhs_hint = false} : vector<512x768xf32>, vector<768x768xf32>, vector<512x768xf32> -> vector<512x768xf32>
    %get3A_110 = arith.constant 0 : index
    %get3A_111 = arith.constant 0 : index
    %get3A_112 = vector.load %arg5[%get3A_110, %get3A_111] : memref<1x768xf32, #tpu.memory_space<vmem>>, vector<1x768xf32>
    %add3A_113 = vector.broadcast %get3A_112 : vector<1x768xf32> to vector<512x768xf32>
    %add3A_114 = arith.addf %dot_general3A_109, %add3A_113 : vector<512x768xf32>
    %logistic3A = arith.negf %add3A_114 : vector<512x768xf32>
    %logistic3A_115 = math.exp %logistic3A : vector<512x768xf32>
    %logistic3A_116 = arith.constant 1.000000e+00 : f32
    %logistic3A_117 = vector.broadcast %logistic3A_116 : f32 to vector<512x768xf32>
    %logistic3A_118 = arith.addf %logistic3A_117, %logistic3A_115 : vector<512x768xf32>
    %logistic3A_119 = arith.divf %logistic3A_117, %logistic3A_118 : vector<512x768xf32>
    %swap3A_120 = arith.constant 0 : index
    %swap3A_121 = arith.constant 0 : index
    %swap3A_122 = vector.load %arg13[%swap3A_120, %swap3A_121] : memref<512x768xf32, #tpu.memory_space<vmem>>, vector<512x768xf32>
    tpu.vector_store %arg13[%swap3A_120, %swap3A_121], %logistic3A_119 {strides = array<i32>} : memref<512x768xf32, #tpu.memory_space<vmem>>, vector<512x768xf32>,
    %eq3A = arith.constant 0 : i32
    %eq3A_123 = arith.cmpi eq, %arg0, %eq3A : i32
    %convert_element_type3A = arith.extui %eq3A_123 : i1 to i32
    %cond3A = arith.constant 0 : i32
    %cond3A_124 = arith.cmpi ne, %convert_element_type3A, %cond3A : i32
    scf.if %cond3A_124 {
      %broadcast_in_dim3A_189 = arith.constant 0.000000e+00 : f32
      %broadcast_in_dim3A_190 = vector.broadcast %broadcast_in_dim3A_189 : f32 to vector<1x768xf32>
      %swap3A_191 = arith.constant 0 : index
      %swap3A_192 = arith.constant 0 : index
      %swap3A_193 = vector.load %arg14[%swap3A_191, %swap3A_192] : memref<1x768xf32, #tpu.memory_space<vmem>>, vector<1x768xf32>
      tpu.vector_store %arg14[%swap3A_191, %swap3A_192], %broadcast_in_dim3A_190 {strides = array<i32>} : memref<1x768xf32, #tpu.memory_space<vmem>>, vector<1x768xf32>,
    } else {
    }
    %get3A_125 = arith.constant 0 : index
    %get3A_126 = arith.constant 0 : index
    %get3A_127 = vector.load %arg14[%get3A_125, %get3A_126] : memref<1x768xf32, #tpu.memory_space<vmem>>, vector<1x768xf32>
    %scan3A = arith.constant 0 : i32
    %scan3A_128 = arith.constant 512 : i32
    %scan3A_129 = arith.addi %scan3A, %scan3A_128 : i32
    %scan3A_130 = arith.constant 1 : i32
    %scan3A_131 = scf.for %scan3A_189 = %scan3A to %scan3A_129 step %scan3A_130 iter_args(%scan3A_190 = %get3A_127) -> (vector<1x768xf32>)  : i32 {
      %get3A_191 = arith.index_cast %scan3A_189 : i32 to index
      %get3A_192 = arith.constant 0 : index
      %get3A_193 = vector.load %arg11[%get3A_191, %get3A_192] : memref<512x768xf32, #tpu.memory_space<vmem>>, vector<1x768xf32>
      %mul3A_194 = arith.mulf %get3A_193, %scan3A_190 : vector<1x768xf32>
      %get3A_195 = arith.index_cast %scan3A_189 : i32 to index
      %get3A_196 = arith.constant 0 : index
      %get3A_197 = vector.load %arg12[%get3A_195, %get3A_196] : memref<512x768xf32, #tpu.memory_space<vmem>>, vector<1x768xf32>
      %sub3A_198 = arith.subf %mul3A_194, %get3A_197 : vector<1x768xf32>
      %jit3A_199 = arith.constant -1.000000e+00 : f32
      %jit3A_200 = arith.constant 1.000000e+00 : f32
      %max3A = vector.broadcast %jit3A_199 : f32 to vector<1x768xf32>
      %max3A_201 = arith.maximumf %max3A, %sub3A_198 : vector<1x768xf32>
      %min3A = vector.broadcast %jit3A_200 : f32 to vector<1x768xf32>
      %min3A_202 = arith.minimumf %min3A, %max3A_201 : vector<1x768xf32>
      %get3A_203 = arith.index_cast %scan3A_189 : i32 to index
      %get3A_204 = arith.constant 0 : index
      %get3A_205 = vector.load %arg13[%get3A_203, %get3A_204] : memref<512x768xf32, #tpu.memory_space<vmem>>, vector<1x768xf32>
      %mul3A_206 = arith.mulf %get3A_205, %min3A_202 : vector<1x768xf32>
      %swap3A_207 = arith.index_cast %scan3A_189 : i32 to index
      %swap3A_208 = arith.constant 0 : index
      %swap3A_209 = vector.load %arg15[%swap3A_207, %swap3A_208] : memref<512x768xf32, #tpu.memory_space<vmem>>, vector<1x768xf32>
      tpu.vector_store %arg15[%swap3A_207, %swap3A_208], %mul3A_206 {strides = array<i32>} : memref<512x768xf32, #tpu.memory_space<vmem>>, vector<1x768xf32>,
      scf.yield %min3A_202 : vector<1x768xf32>
    }
    %scan3A_132 = arith.constant 512 : i32
    %swap3A_133 = arith.constant 0 : index
    %swap3A_134 = arith.constant 0 : index
    %swap3A_135 = vector.load %arg14[%swap3A_133, %swap3A_134] : memref<1x768xf32, #tpu.memory_space<vmem>>, vector<1x768xf32>
    tpu.vector_store %arg14[%swap3A_133, %swap3A_134], %scan3A_131 {strides = array<i32>} : memref<1x768xf32, #tpu.memory_space<vmem>>, vector<1x768xf32>,
    %eq3A_136 = arith.constant 3 : i32
    %eq3A_137 = arith.cmpi eq, %arg0, %eq3A_136 : i32
    %convert_element_type3A_138 = arith.extui %eq3A_137 : i1 to i32
    %cond3A_139 = arith.constant 0 : i32
    %cond3A_140 = arith.cmpi ne, %convert_element_type3A_138, %cond3A_139 : i32
    scf.if %cond3A_140 {
      %get3A_189 = arith.constant 0 : index
      %get3A_190 = arith.constant 0 : index
      %get3A_191 = vector.load %arg14[%get3A_189, %get3A_190] : memref<1x768xf32, #tpu.memory_space<vmem>>, vector<1x768xf32>
      %swap3A_192 = arith.constant 0 : index
      %swap3A_193 = arith.constant 0 : index
      %swap3A_194 = vector.load %arg10[%swap3A_192, %swap3A_193] : memref<1x768xf32, #tpu.memory_space<vmem>>, vector<1x768xf32>
      tpu.vector_store %arg10[%swap3A_192, %swap3A_193], %get3A_191 {strides = array<i32>} : memref<1x768xf32, #tpu.memory_space<vmem>>, vector<1x768xf32>,
    } else {
    }
    %get3A_141 = arith.constant 0 : index
    %get3A_142 = arith.constant 0 : index
    %get3A_143 = vector.load %arg15[%get3A_141, %get3A_142] : memref<512x768xf32, #tpu.memory_space<vmem>>, vector<512x768xf32>
    %convert_element_type3A_144 = arith.truncf %get3A_143 : vector<512x768xf32> to vector<512x768xbf16>
    %swap3A_145 = arith.constant 0 : index
    %swap3A_146 = arith.constant 0 : index
    %swap3A_147 = vector.load %arg8[%swap3A_145, %swap3A_146] : memref<512x768xbf16, #tpu.memory_space<vmem>>, vector<512x768xbf16>
    tpu.vector_store %arg8[%swap3A_145, %swap3A_146], %convert_element_type3A_144 {strides = array<i32>} : memref<512x768xbf16, #tpu.memory_space<vmem>>, vector<512x768xbf16>,
    %get3A_148 = arith.constant 0 : index
    %get3A_149 = arith.constant 0 : index
    %get3A_150 = vector.load %arg6[%get3A_148, %get3A_149] : memref<768x8xf32, #tpu.memory_space<vmem>>, vector<768x8xf32>
    %dot_general3A_151 = arith.constant dense<0.000000e+00> : vector<512x8xf32>
    %dot_general3A_152 = tpu.matmul %get3A_143, %get3A_150, %dot_general3A_151 {dimension_numbers = #tpu.dot_dimension_numbers<[1], [0], [0], [1], [0, 0, 1, 1], [], []>, transpose_lhs_hint = false} : vector<512x768xf32>, vector<768x8xf32>, vector<512x8xf32> -> vector<512x8xf32>
    %get3A_153 = arith.constant 0 : index
    %get3A_154 = arith.constant 0 : index
    %get3A_155 = vector.load %arg7[%get3A_153, %get3A_154] : memref<1x8xf32, #tpu.memory_space<vmem>>, vector<1x8xf32>
    %add3A_156 = vector.broadcast %get3A_155 : vector<1x8xf32> to vector<512x8xf32>
    %add3A_157 = arith.addf %dot_general3A_152, %add3A_156 : vector<512x8xf32>
    %reduce_max3A = arith.constant dense<0xFF800000> : vector<512xf32>
    %reduce_max3A_158 = vector.multi_reduction <maximumf>, %add3A_157, %reduce_max3A [1] : vector<512x8xf32> to vector<512xf32>
    %broadcast_in_dim3A = vector.shape_cast %reduce_max3A_158 : vector<512xf32> to vector<512x1xf32>
    %ge3A = vector.broadcast %broadcast_in_dim3A : vector<512x1xf32> to vector<512x8xf32>
    %ge3A_159 = arith.cmpf oge, %add3A_157, %ge3A : vector<512x8xf32>
    %jit3A = arith.constant 0xFF800000 : f32
    %broadcast_in_dim3A_160 = vector.broadcast %jit3A : f32 to vector<512x8xf32>
    %select_n3A_161 = arith.select %ge3A_159, %broadcast_in_dim3A_160, %add3A_157 : vector<512x8xi1>, vector<512x8xf32>
    %reduce_max3A_162 = arith.constant dense<0xFF800000> : vector<512xf32>
    %reduce_max3A_163 = vector.multi_reduction <maximumf>, %select_n3A_161, %reduce_max3A_162 [1] : vector<512x8xf32> to vector<512xf32>
    %broadcast_in_dim3A_164 = vector.shape_cast %reduce_max3A_163 : vector<512xf32> to vector<512x1xf32>
    %sub3A_165 = arith.subf %broadcast_in_dim3A_164, %broadcast_in_dim3A : vector<512x1xf32>
    %exp3A = math.exp %sub3A_165 : vector<512x1xf32>
    %add3A_166 = arith.constant 1.000000e+00 : f32
    %add3A_167 = vector.broadcast %add3A_166 : f32 to vector<512x1xf32>
    %add3A_168 = arith.addf %add3A_167, %exp3A : vector<512x1xf32>
    %div3A = arith.constant 1.000000e+00 : f32
    %div3A_169 = vector.broadcast %div3A : f32 to vector<512x1xf32>
    %div3A_170 = arith.divf %div3A_169, %add3A_168 : vector<512x1xf32>
    %ge3A_171 = vector.broadcast %broadcast_in_dim3A : vector<512x1xf32> to vector<512x8xf32>
    %ge3A_172 = arith.cmpf oge, %add3A_157, %ge3A_171 : vector<512x8xf32>
    %ge3A_173 = vector.broadcast %broadcast_in_dim3A_164 : vector<512x1xf32> to vector<512x8xf32>
    %ge3A_174 = arith.cmpf oge, %add3A_157, %ge3A_173 : vector<512x8xf32>
    %sub3A_175 = arith.constant 1.000000e+00 : f32
    %sub3A_176 = vector.broadcast %sub3A_175 : f32 to vector<512x1xf32>
    %sub3A_177 = arith.subf %sub3A_176, %div3A_170 : vector<512x1xf32>
    %jit3A_178 = arith.constant 0.000000e+00 : f32
    %broadcast_in_dim3A_179 = vector.shape_cast %sub3A_177 : vector<512x1xf32> to vector<512x1xf32>
    %broadcast_in_dim3A_180 = vector.broadcast %broadcast_in_dim3A_179 : vector<512x1xf32> to vector<512x8xf32>
    %broadcast_in_dim3A_181 = vector.broadcast %jit3A_178 : f32 to vector<512x8xf32>
    %select_n3A_182 = arith.select %ge3A_174, %broadcast_in_dim3A_180, %broadcast_in_dim3A_181 : vector<512x8xi1>, vector<512x8xf32>
    %broadcast_in_dim3A_183 = vector.shape_cast %div3A_170 : vector<512x1xf32> to vector<512x1xf32>
    %broadcast_in_dim3A_184 = vector.broadcast %broadcast_in_dim3A_183 : vector<512x1xf32> to vector<512x8xf32>
    %select_n3A_185 = arith.select %ge3A_172, %broadcast_in_dim3A_184, %select_n3A_182 : vector<512x8xi1>, vector<512x8xf32>
    %swap3A_186 = arith.constant 0 : index
    %swap3A_187 = arith.constant 0 : index
    %swap3A_188 = vector.load %arg9[%swap3A_186, %swap3A_187] : memref<512x8xf32, #tpu.memory_space<vmem>>, vector<512x8xf32>
    tpu.vector_store %arg9[%swap3A_186, %swap3A_187], %select_n3A_185 {strides = array<i32>} : memref<512x8xf32, #tpu.memory_space<vmem>>, vector<512x8xf32>,
    return
  }
  func.func @transform_0(%arg0: i32) -> (i32, i32) {
    %c0_i32 = arith.constant 0 : i32
    %c0_i32_0 = arith.constant 0 : i32
    return %arg0, %c0_i32 : i32, i32
  }
  func.func @transform_1(%arg0: i32) -> (i32, i32) {
    %c0_i32 = arith.constant 0 : i32
    %c0_i32_0 = arith.constant 0 : i32
    %c0_i32_1 = arith.constant 0 : i32
    return %c0_i32, %c0_i32_0 : i32, i32
  }
  func.func @transform_2(%arg0: i32) -> (i32, i32) {
    %c0_i32 = arith.constant 0 : i32
    %c0_i32_0 = arith.constant 0 : i32
    %c0_i32_1 = arith.constant 0 : i32
    return %c0_i32, %c0_i32_0 : i32, i32
  }
  func.func @transform_3(%arg0: i32) -> (i32, i32) {
    %c0_i32 = arith.constant 0 : i32
    %c0_i32_0 = arith.constant 0 : i32
    %c0_i32_1 = arith.constant 0 : i32
    return %c0_i32, %c0_i32_0 : i32, i32
  }
  func.func @transform_4(%arg0: i32) -> (i32, i32) {
    %c0_i32 = arith.constant 0 : i32
    %c0_i32_0 = arith.constant 0 : i32
    %c0_i32_1 = arith.constant 0 : i32
    return %c0_i32, %c0_i32_0 : i32, i32
  }
  func.func @transform_5(%arg0: i32) -> (i32, i32) {
    %c0_i32 = arith.constant 0 : i32
    %c0_i32_0 = arith.constant 0 : i32
    %c0_i32_1 = arith.constant 0 : i32
    return %c0_i32, %c0_i32_0 : i32, i32
  }
  func.func @transform_6(%arg0: i32) -> (i32, i32) {
    %c0_i32 = arith.constant 0 : i32
    %c0_i32_0 = arith.constant 0 : i32
    %c0_i32_1 = arith.constant 0 : i32
    return %c0_i32, %c0_i32_0 : i32, i32
  }
  func.func @transform_7(%arg0: i32) -> (i32, i32) {
    %c0_i32 = arith.constant 0 : i32
    %c0_i32_0 = arith.constant 0 : i32
    return %arg0, %c0_i32 : i32, i32
  }
  func.func @transform_8(%arg0: i32) -> (i32, i32) {
    %c0_i32 = arith.constant 0 : i32
    %c0_i32_0 = arith.constant 0 : i32
    return %arg0, %c0_i32 : i32, i32
  }
  func.func @transform_9(%arg0: i32) -> (i32, i32) {
    %c0_i32 = arith.constant 0 : i32
    %c0_i32_0 = arith.constant 0 : i32
    %c0_i32_1 = arith.constant 0 : i32
    return %c0_i32, %c0_i32_0 : i32, i32
  }
}

module attributes {stable_mosaic.version = 14 : i64} {
  func.func @_moe_body(%arg0: i32, %arg1: i32, %arg2: memref<2048x768xbf16, #tpu.memory_space<vmem>>, %arg3: memref<2048x8xf32, #tpu.memory_space<vmem>>, %arg4: memref<1x768x3072xf32, #tpu.memory_space<vmem>>, %arg5: memref<1x1x3072xf32, #tpu.memory_space<vmem>>, %arg6: memref<1x3072x768xf32, #tpu.memory_space<vmem>>, %arg7: memref<1x1x768xf32, #tpu.memory_space<vmem>>, %arg8: memref<768x256xbf16, #tpu.memory_space<vmem>>, %arg9: memref<1x256xf32, #tpu.memory_space<vmem>>, %arg10: memref<2048x256xf32, #tpu.memory_space<vmem>>, %arg11: memref<2048x768xf32, #tpu.memory_space<vmem>>) attributes {dimension_semantics = [#tpu.dimension_semantics<arbitrary>, #tpu.dimension_semantics<arbitrary>], iteration_bounds = array<i64: 8, 1>, scalar_prefetch = 0 : i64, scratch_operands = 1 : i64, tpu.core_type = #tpu.core_type<tc>, window_params = [{pipeline_mode = #tpu.pipeline_mode<synchronous>, transform_indices = @transform_0, window_bounds = array<i64: 2048, 768>}, {pipeline_mode = #tpu.pipeline_mode<synchronous>, transform_indices = @transform_1, window_bounds = array<i64: 2048, 8>}, {transform_indices = @transform_2, window_bounds = array<i64: 1, 768, 3072>}, {transform_indices = @transform_3, window_bounds = array<i64: 1, 1, 3072>}, {transform_indices = @transform_4, window_bounds = array<i64: 1, 3072, 768>}, {transform_indices = @transform_5, window_bounds = array<i64: 1, 1, 768>}, {pipeline_mode = #tpu.pipeline_mode<synchronous>, transform_indices = @transform_6, window_bounds = array<i64: 768, 256>}, {pipeline_mode = #tpu.pipeline_mode<synchronous>, transform_indices = @transform_7, window_bounds = array<i64: 1, 256>}, {pipeline_mode = #tpu.pipeline_mode<synchronous>, transform_indices = @transform_8, window_bounds = array<i64: 2048, 256>}]} {
    %eq3A = arith.constant 0 : i32
    %eq3A_0 = arith.cmpi eq, %arg0, %eq3A : i32
    %eq3A_1 = arith.constant 0 : i32
    %eq3A_2 = arith.cmpi eq, %arg1, %eq3A_1 : i32
    %and3A = arith.andi %eq3A_0, %eq3A_2 : i1
    %convert_element_type3A = arith.extui %and3A : i1 to i32
    %cond3A = arith.constant 0 : i32
    %cond3A_3 = arith.cmpi ne, %convert_element_type3A, %cond3A : i32
    scf.if %cond3A_3 {
      %broadcast_in_dim3A_192 = arith.constant 0.000000e+00 : f32
      %broadcast_in_dim3A_193 = vector.broadcast %broadcast_in_dim3A_192 : f32 to vector<2048x768xf32>
      %swap3A = arith.constant 0 : index
      %swap3A_194 = arith.constant 0 : index
      %swap3A_195 = vector.load %arg11[%swap3A, %swap3A_194] : memref<2048x768xf32, #tpu.memory_space<vmem>>, vector<2048x768xf32>
      tpu.vector_store %arg11[%swap3A, %swap3A_194], %broadcast_in_dim3A_193 {strides = array<i32>} : memref<2048x768xf32, #tpu.memory_space<vmem>>, vector<2048x768xf32>,
    } else {
    }
    %get3A = arith.constant 0 : index
    %get3A_4 = arith.constant 0 : index
    %get3A_5 = vector.load %arg2[%get3A, %get3A_4] : memref<2048x768xbf16, #tpu.memory_space<vmem>>, vector<2048x768xbf16>
    %get3A_6 = arith.constant 0 : index
    %get3A_7 = arith.constant 0 : index
    %get3A_8 = arith.constant 0 : index
    %get3A_9 = vector.load %arg4[%get3A_6, %get3A_7, %get3A_8] : memref<1x768x3072xf32, #tpu.memory_space<vmem>>, vector<1x768x768xf32>
    %get3A_10 = vector.shape_cast %get3A_9 : vector<1x768x768xf32> to vector<768x768xf32>
    %convert_element_type3A_11 = arith.truncf %get3A_10 : vector<768x768xf32> to vector<768x768xbf16>
    %dot_general3A = arith.constant dense<0.000000e+00> : vector<2048x768xf32>
    %dot_general3A_12 = tpu.matmul %get3A_5, %convert_element_type3A_11, %dot_general3A {dimension_numbers = #tpu.dot_dimension_numbers<[1], [0], [0], [1], [0, 0, 1, 1], [], []>, transpose_lhs_hint = false} : vector<2048x768xbf16>, vector<768x768xbf16>, vector<2048x768xf32> -> vector<2048x768xf32>
    %get3A_13 = arith.constant 0 : index
    %get3A_14 = arith.constant 0 : index
    %get3A_15 = arith.constant 0 : index
    %get3A_16 = vector.load %arg5[%get3A_13, %get3A_14, %get3A_15] : memref<1x1x3072xf32, #tpu.memory_space<vmem>>, vector<1x1x768xf32>
    %get3A_17 = vector.shape_cast %get3A_16 : vector<1x1x768xf32> to vector<1x768xf32>
    %add3A = vector.broadcast %get3A_17 : vector<1x768xf32> to vector<2048x768xf32>
    %add3A_18 = arith.addf %dot_general3A_12, %add3A : vector<2048x768xf32>
    %convert_element_type3A_19 = arith.truncf %add3A_18 : vector<2048x768xf32> to vector<2048x768xbf16>
    %integer_pow3A = arith.mulf %convert_element_type3A_19, %convert_element_type3A_19 : vector<2048x768xbf16>
    %integer_pow3A_20 = arith.mulf %convert_element_type3A_19, %integer_pow3A : vector<2048x768xbf16>
    %mul3A = arith.constant 4.467770e-02 : bf16
    %mul3A_21 = vector.broadcast %mul3A : bf16 to vector<2048x768xbf16>
    %mul3A_22 = arith.mulf %mul3A_21, %integer_pow3A_20 : vector<2048x768xbf16>
    %add3A_23 = arith.addf %convert_element_type3A_19, %mul3A_22 : vector<2048x768xbf16>
    %mul3A_24 = arith.constant 7.968750e-01 : bf16
    %mul3A_25 = vector.broadcast %mul3A_24 : bf16 to vector<2048x768xbf16>
    %mul3A_26 = arith.mulf %mul3A_25, %add3A_23 : vector<2048x768xbf16>
    %tanh3A = math.tanh %mul3A_26 : vector<2048x768xbf16>
    %add3A_27 = arith.constant 1.000000e+00 : bf16
    %add3A_28 = vector.broadcast %add3A_27 : bf16 to vector<2048x768xbf16>
    %add3A_29 = arith.addf %add3A_28, %tanh3A : vector<2048x768xbf16>
    %mul3A_30 = arith.constant 5.000000e-01 : bf16
    %mul3A_31 = vector.broadcast %mul3A_30 : bf16 to vector<2048x768xbf16>
    %mul3A_32 = arith.mulf %mul3A_31, %add3A_29 : vector<2048x768xbf16>
    %mul3A_33 = arith.mulf %convert_element_type3A_19, %mul3A_32 : vector<2048x768xbf16>
    %get3A_34 = arith.constant 0 : index
    %get3A_35 = arith.constant 0 : index
    %get3A_36 = arith.constant 0 : index
    %get3A_37 = vector.load %arg6[%get3A_34, %get3A_35, %get3A_36] : memref<1x3072x768xf32, #tpu.memory_space<vmem>>, vector<1x768x768xf32>
    %get3A_38 = vector.shape_cast %get3A_37 : vector<1x768x768xf32> to vector<768x768xf32>
    %convert_element_type3A_39 = arith.truncf %get3A_38 : vector<768x768xf32> to vector<768x768xbf16>
    %dot_general3A_40 = arith.constant dense<0.000000e+00> : vector<2048x768xf32>
    %dot_general3A_41 = tpu.matmul %mul3A_33, %convert_element_type3A_39, %dot_general3A_40 {dimension_numbers = #tpu.dot_dimension_numbers<[1], [0], [0], [1], [0, 0, 1, 1], [], []>, transpose_lhs_hint = false} : vector<2048x768xbf16>, vector<768x768xbf16>, vector<2048x768xf32> -> vector<2048x768xf32>
    %get3A_42 = arith.constant 0 : index
    %get3A_43 = arith.constant 0 : index
    %get3A_44 = arith.constant 768 : index
    %get3A_45 = vector.load %arg4[%get3A_42, %get3A_43, %get3A_44] : memref<1x768x3072xf32, #tpu.memory_space<vmem>>, vector<1x768x768xf32>
    %get3A_46 = vector.shape_cast %get3A_45 : vector<1x768x768xf32> to vector<768x768xf32>
    %convert_element_type3A_47 = arith.truncf %get3A_46 : vector<768x768xf32> to vector<768x768xbf16>
    %dot_general3A_48 = arith.constant dense<0.000000e+00> : vector<2048x768xf32>
    %dot_general3A_49 = tpu.matmul %get3A_5, %convert_element_type3A_47, %dot_general3A_48 {dimension_numbers = #tpu.dot_dimension_numbers<[1], [0], [0], [1], [0, 0, 1, 1], [], []>, transpose_lhs_hint = false} : vector<2048x768xbf16>, vector<768x768xbf16>, vector<2048x768xf32> -> vector<2048x768xf32>
    %get3A_50 = arith.constant 0 : index
    %get3A_51 = arith.constant 0 : index
    %get3A_52 = arith.constant 768 : index
    %get3A_53 = vector.load %arg5[%get3A_50, %get3A_51, %get3A_52] : memref<1x1x3072xf32, #tpu.memory_space<vmem>>, vector<1x1x768xf32>
    %get3A_54 = vector.shape_cast %get3A_53 : vector<1x1x768xf32> to vector<1x768xf32>
    %add3A_55 = vector.broadcast %get3A_54 : vector<1x768xf32> to vector<2048x768xf32>
    %add3A_56 = arith.addf %dot_general3A_49, %add3A_55 : vector<2048x768xf32>
    %convert_element_type3A_57 = arith.truncf %add3A_56 : vector<2048x768xf32> to vector<2048x768xbf16>
    %integer_pow3A_58 = arith.mulf %convert_element_type3A_57, %convert_element_type3A_57 : vector<2048x768xbf16>
    %integer_pow3A_59 = arith.mulf %convert_element_type3A_57, %integer_pow3A_58 : vector<2048x768xbf16>
    %mul3A_60 = arith.constant 4.467770e-02 : bf16
    %mul3A_61 = vector.broadcast %mul3A_60 : bf16 to vector<2048x768xbf16>
    %mul3A_62 = arith.mulf %mul3A_61, %integer_pow3A_59 : vector<2048x768xbf16>
    %add3A_63 = arith.addf %convert_element_type3A_57, %mul3A_62 : vector<2048x768xbf16>
    %mul3A_64 = arith.constant 7.968750e-01 : bf16
    %mul3A_65 = vector.broadcast %mul3A_64 : bf16 to vector<2048x768xbf16>
    %mul3A_66 = arith.mulf %mul3A_65, %add3A_63 : vector<2048x768xbf16>
    %tanh3A_67 = math.tanh %mul3A_66 : vector<2048x768xbf16>
    %add3A_68 = arith.constant 1.000000e+00 : bf16
    %add3A_69 = vector.broadcast %add3A_68 : bf16 to vector<2048x768xbf16>
    %add3A_70 = arith.addf %add3A_69, %tanh3A_67 : vector<2048x768xbf16>
    %mul3A_71 = arith.constant 5.000000e-01 : bf16
    %mul3A_72 = vector.broadcast %mul3A_71 : bf16 to vector<2048x768xbf16>
    %mul3A_73 = arith.mulf %mul3A_72, %add3A_70 : vector<2048x768xbf16>
    %mul3A_74 = arith.mulf %convert_element_type3A_57, %mul3A_73 : vector<2048x768xbf16>
    %get3A_75 = arith.constant 0 : index
    %get3A_76 = arith.constant 768 : index
    %get3A_77 = arith.constant 0 : index
    %get3A_78 = vector.load %arg6[%get3A_75, %get3A_76, %get3A_77] : memref<1x3072x768xf32, #tpu.memory_space<vmem>>, vector<1x768x768xf32>
    %get3A_79 = vector.shape_cast %get3A_78 : vector<1x768x768xf32> to vector<768x768xf32>
    %convert_element_type3A_80 = arith.truncf %get3A_79 : vector<768x768xf32> to vector<768x768xbf16>
    %dot_general3A_81 = arith.constant dense<0.000000e+00> : vector<2048x768xf32>
    %dot_general3A_82 = tpu.matmul %mul3A_74, %convert_element_type3A_80, %dot_general3A_81 {dimension_numbers = #tpu.dot_dimension_numbers<[1], [0], [0], [1], [0, 0, 1, 1], [], []>, transpose_lhs_hint = false} : vector<2048x768xbf16>, vector<768x768xbf16>, vector<2048x768xf32> -> vector<2048x768xf32>
    %add3A_83 = arith.addf %dot_general3A_41, %dot_general3A_82 : vector<2048x768xf32>
    %get3A_84 = arith.constant 0 : index
    %get3A_85 = arith.constant 0 : index
    %get3A_86 = arith.constant 1536 : index
    %get3A_87 = vector.load %arg4[%get3A_84, %get3A_85, %get3A_86] : memref<1x768x3072xf32, #tpu.memory_space<vmem>>, vector<1x768x768xf32>
    %get3A_88 = vector.shape_cast %get3A_87 : vector<1x768x768xf32> to vector<768x768xf32>
    %convert_element_type3A_89 = arith.truncf %get3A_88 : vector<768x768xf32> to vector<768x768xbf16>
    %dot_general3A_90 = arith.constant dense<0.000000e+00> : vector<2048x768xf32>
    %dot_general3A_91 = tpu.matmul %get3A_5, %convert_element_type3A_89, %dot_general3A_90 {dimension_numbers = #tpu.dot_dimension_numbers<[1], [0], [0], [1], [0, 0, 1, 1], [], []>, transpose_lhs_hint = false} : vector<2048x768xbf16>, vector<768x768xbf16>, vector<2048x768xf32> -> vector<2048x768xf32>
    %get3A_92 = arith.constant 0 : index
    %get3A_93 = arith.constant 0 : index
    %get3A_94 = arith.constant 1536 : index
    %get3A_95 = vector.load %arg5[%get3A_92, %get3A_93, %get3A_94] : memref<1x1x3072xf32, #tpu.memory_space<vmem>>, vector<1x1x768xf32>
    %get3A_96 = vector.shape_cast %get3A_95 : vector<1x1x768xf32> to vector<1x768xf32>
    %add3A_97 = vector.broadcast %get3A_96 : vector<1x768xf32> to vector<2048x768xf32>
    %add3A_98 = arith.addf %dot_general3A_91, %add3A_97 : vector<2048x768xf32>
    %convert_element_type3A_99 = arith.truncf %add3A_98 : vector<2048x768xf32> to vector<2048x768xbf16>
    %integer_pow3A_100 = arith.mulf %convert_element_type3A_99, %convert_element_type3A_99 : vector<2048x768xbf16>
    %integer_pow3A_101 = arith.mulf %convert_element_type3A_99, %integer_pow3A_100 : vector<2048x768xbf16>
    %mul3A_102 = arith.constant 4.467770e-02 : bf16
    %mul3A_103 = vector.broadcast %mul3A_102 : bf16 to vector<2048x768xbf16>
    %mul3A_104 = arith.mulf %mul3A_103, %integer_pow3A_101 : vector<2048x768xbf16>
    %add3A_105 = arith.addf %convert_element_type3A_99, %mul3A_104 : vector<2048x768xbf16>
    %mul3A_106 = arith.constant 7.968750e-01 : bf16
    %mul3A_107 = vector.broadcast %mul3A_106 : bf16 to vector<2048x768xbf16>
    %mul3A_108 = arith.mulf %mul3A_107, %add3A_105 : vector<2048x768xbf16>
    %tanh3A_109 = math.tanh %mul3A_108 : vector<2048x768xbf16>
    %add3A_110 = arith.constant 1.000000e+00 : bf16
    %add3A_111 = vector.broadcast %add3A_110 : bf16 to vector<2048x768xbf16>
    %add3A_112 = arith.addf %add3A_111, %tanh3A_109 : vector<2048x768xbf16>
    %mul3A_113 = arith.constant 5.000000e-01 : bf16
    %mul3A_114 = vector.broadcast %mul3A_113 : bf16 to vector<2048x768xbf16>
    %mul3A_115 = arith.mulf %mul3A_114, %add3A_112 : vector<2048x768xbf16>
    %mul3A_116 = arith.mulf %convert_element_type3A_99, %mul3A_115 : vector<2048x768xbf16>
    %get3A_117 = arith.constant 0 : index
    %get3A_118 = arith.constant 1536 : index
    %get3A_119 = arith.constant 0 : index
    %get3A_120 = vector.load %arg6[%get3A_117, %get3A_118, %get3A_119] : memref<1x3072x768xf32, #tpu.memory_space<vmem>>, vector<1x768x768xf32>
    %get3A_121 = vector.shape_cast %get3A_120 : vector<1x768x768xf32> to vector<768x768xf32>
    %convert_element_type3A_122 = arith.truncf %get3A_121 : vector<768x768xf32> to vector<768x768xbf16>
    %dot_general3A_123 = arith.constant dense<0.000000e+00> : vector<2048x768xf32>
    %dot_general3A_124 = tpu.matmul %mul3A_116, %convert_element_type3A_122, %dot_general3A_123 {dimension_numbers = #tpu.dot_dimension_numbers<[1], [0], [0], [1], [0, 0, 1, 1], [], []>, transpose_lhs_hint = false} : vector<2048x768xbf16>, vector<768x768xbf16>, vector<2048x768xf32> -> vector<2048x768xf32>
    %add3A_125 = arith.addf %add3A_83, %dot_general3A_124 : vector<2048x768xf32>
    %get3A_126 = arith.constant 0 : index
    %get3A_127 = arith.constant 0 : index
    %get3A_128 = arith.constant 2304 : index
    %get3A_129 = vector.load %arg4[%get3A_126, %get3A_127, %get3A_128] : memref<1x768x3072xf32, #tpu.memory_space<vmem>>, vector<1x768x768xf32>
    %get3A_130 = vector.shape_cast %get3A_129 : vector<1x768x768xf32> to vector<768x768xf32>
    %convert_element_type3A_131 = arith.truncf %get3A_130 : vector<768x768xf32> to vector<768x768xbf16>
    %dot_general3A_132 = arith.constant dense<0.000000e+00> : vector<2048x768xf32>
    %dot_general3A_133 = tpu.matmul %get3A_5, %convert_element_type3A_131, %dot_general3A_132 {dimension_numbers = #tpu.dot_dimension_numbers<[1], [0], [0], [1], [0, 0, 1, 1], [], []>, transpose_lhs_hint = false} : vector<2048x768xbf16>, vector<768x768xbf16>, vector<2048x768xf32> -> vector<2048x768xf32>
    %get3A_134 = arith.constant 0 : index
    %get3A_135 = arith.constant 0 : index
    %get3A_136 = arith.constant 2304 : index
    %get3A_137 = vector.load %arg5[%get3A_134, %get3A_135, %get3A_136] : memref<1x1x3072xf32, #tpu.memory_space<vmem>>, vector<1x1x768xf32>
    %get3A_138 = vector.shape_cast %get3A_137 : vector<1x1x768xf32> to vector<1x768xf32>
    %add3A_139 = vector.broadcast %get3A_138 : vector<1x768xf32> to vector<2048x768xf32>
    %add3A_140 = arith.addf %dot_general3A_133, %add3A_139 : vector<2048x768xf32>
    %convert_element_type3A_141 = arith.truncf %add3A_140 : vector<2048x768xf32> to vector<2048x768xbf16>
    %integer_pow3A_142 = arith.mulf %convert_element_type3A_141, %convert_element_type3A_141 : vector<2048x768xbf16>
    %integer_pow3A_143 = arith.mulf %convert_element_type3A_141, %integer_pow3A_142 : vector<2048x768xbf16>
    %mul3A_144 = arith.constant 4.467770e-02 : bf16
    %mul3A_145 = vector.broadcast %mul3A_144 : bf16 to vector<2048x768xbf16>
    %mul3A_146 = arith.mulf %mul3A_145, %integer_pow3A_143 : vector<2048x768xbf16>
    %add3A_147 = arith.addf %convert_element_type3A_141, %mul3A_146 : vector<2048x768xbf16>
    %mul3A_148 = arith.constant 7.968750e-01 : bf16
    %mul3A_149 = vector.broadcast %mul3A_148 : bf16 to vector<2048x768xbf16>
    %mul3A_150 = arith.mulf %mul3A_149, %add3A_147 : vector<2048x768xbf16>
    %tanh3A_151 = math.tanh %mul3A_150 : vector<2048x768xbf16>
    %add3A_152 = arith.constant 1.000000e+00 : bf16
    %add3A_153 = vector.broadcast %add3A_152 : bf16 to vector<2048x768xbf16>
    %add3A_154 = arith.addf %add3A_153, %tanh3A_151 : vector<2048x768xbf16>
    %mul3A_155 = arith.constant 5.000000e-01 : bf16
    %mul3A_156 = vector.broadcast %mul3A_155 : bf16 to vector<2048x768xbf16>
    %mul3A_157 = arith.mulf %mul3A_156, %add3A_154 : vector<2048x768xbf16>
    %mul3A_158 = arith.mulf %convert_element_type3A_141, %mul3A_157 : vector<2048x768xbf16>
    %get3A_159 = arith.constant 0 : index
    %get3A_160 = arith.constant 2304 : index
    %get3A_161 = arith.constant 0 : index
    %get3A_162 = vector.load %arg6[%get3A_159, %get3A_160, %get3A_161] : memref<1x3072x768xf32, #tpu.memory_space<vmem>>, vector<1x768x768xf32>
    %get3A_163 = vector.shape_cast %get3A_162 : vector<1x768x768xf32> to vector<768x768xf32>
    %convert_element_type3A_164 = arith.truncf %get3A_163 : vector<768x768xf32> to vector<768x768xbf16>
    %dot_general3A_165 = arith.constant dense<0.000000e+00> : vector<2048x768xf32>
    %dot_general3A_166 = tpu.matmul %mul3A_158, %convert_element_type3A_164, %dot_general3A_165 {dimension_numbers = #tpu.dot_dimension_numbers<[1], [0], [0], [1], [0, 0, 1, 1], [], []>, transpose_lhs_hint = false} : vector<2048x768xbf16>, vector<768x768xbf16>, vector<2048x768xf32> -> vector<2048x768xf32>
    %add3A_167 = arith.addf %add3A_125, %dot_general3A_166 : vector<2048x768xf32>
    %iota3A = tpu.iota {dimensions = array<i32: 1>} : vector<2048x8xi32>
    %eq3A_168 = vector.broadcast %arg0 : i32 to vector<2048x8xi32>
    %eq3A_169 = arith.cmpi eq, %iota3A, %eq3A_168 : vector<2048x8xi32>
    %get3A_170 = arith.constant 0 : index
    %get3A_171 = arith.constant 0 : index
    %get3A_172 = vector.load %arg3[%get3A_170, %get3A_171] : memref<2048x8xf32, #tpu.memory_space<vmem>>, vector<2048x8xf32>
    %jit3A = arith.constant 0.000000e+00 : f32
    %broadcast_in_dim3A = vector.broadcast %jit3A : f32 to vector<2048x8xf32>
    %select_n3A = arith.select %eq3A_169, %get3A_172, %broadcast_in_dim3A : vector<2048x8xi1>, vector<2048x8xf32>
    %reduce_sum3A = arith.constant dense<0.000000e+00> : vector<2048xf32>
    %reduce_sum3A_173 = vector.multi_reduction <add>, %select_n3A, %reduce_sum3A [1] : vector<2048x8xf32> to vector<2048xf32>
    %broadcast_in_dim3A_174 = vector.shape_cast %reduce_sum3A_173 : vector<2048xf32> to vector<2048x1xf32>
    %eq3A_175 = arith.constant 0 : i32
    %eq3A_176 = arith.cmpi eq, %arg1, %eq3A_175 : i32
    %convert_element_type3A_177 = arith.extui %eq3A_176 : i1 to i32
    %cond3A_178 = arith.constant 0 : i32
    %cond3A_179 = arith.cmpi ne, %convert_element_type3A_177, %cond3A_178 : i32
    scf.if %cond3A_179 {
      %get3A_192 = arith.constant 0 : index
      %get3A_193 = arith.constant 0 : index
      %get3A_194 = vector.load %arg11[%get3A_192, %get3A_193] : memref<2048x768xf32, #tpu.memory_space<vmem>>, vector<2048x768xf32>
      %get3A_195 = arith.constant 0 : index
      %get3A_196 = arith.constant 0 : index
      %get3A_197 = arith.constant 0 : index
      %get3A_198 = vector.load %arg7[%get3A_195, %get3A_196, %get3A_197] : memref<1x1x768xf32, #tpu.memory_space<vmem>>, vector<1x1x768xf32>
      %get3A_199 = vector.shape_cast %get3A_198 : vector<1x1x768xf32> to vector<1x768xf32>
      %add3A_200 = vector.broadcast %get3A_199 : vector<1x768xf32> to vector<2048x768xf32>
      %add3A_201 = arith.addf %add3A_167, %add3A_200 : vector<2048x768xf32>
      %mul3A_202 = vector.broadcast %broadcast_in_dim3A_174 : vector<2048x1xf32> to vector<2048x768xf32>
      %mul3A_203 = arith.mulf %mul3A_202, %add3A_201 : vector<2048x768xf32>
      %add3A_204 = arith.addf %get3A_194, %mul3A_203 : vector<2048x768xf32>
      %swap3A = arith.constant 0 : index
      %swap3A_205 = arith.constant 0 : index
      %swap3A_206 = vector.load %arg11[%swap3A, %swap3A_205] : memref<2048x768xf32, #tpu.memory_space<vmem>>, vector<2048x768xf32>
      tpu.vector_store %arg11[%swap3A, %swap3A_205], %add3A_204 {strides = array<i32>} : memref<2048x768xf32, #tpu.memory_space<vmem>>, vector<2048x768xf32>,
    } else {
    }
    %ne3A = arith.constant 0 : i32
    %ne3A_180 = arith.cmpi ne, %arg1, %ne3A : i32
    %convert_element_type3A_181 = arith.extui %ne3A_180 : i1 to i32
    %cond3A_182 = arith.constant 0 : i32
    %cond3A_183 = arith.cmpi ne, %convert_element_type3A_181, %cond3A_182 : i32
    scf.if %cond3A_183 {
      %get3A_192 = arith.constant 0 : index
      %get3A_193 = arith.constant 0 : index
      %get3A_194 = vector.load %arg11[%get3A_192, %get3A_193] : memref<2048x768xf32, #tpu.memory_space<vmem>>, vector<2048x768xf32>
      %mul3A_195 = vector.broadcast %broadcast_in_dim3A_174 : vector<2048x1xf32> to vector<2048x768xf32>
      %mul3A_196 = arith.mulf %mul3A_195, %add3A_167 : vector<2048x768xf32>
      %add3A_197 = arith.addf %get3A_194, %mul3A_196 : vector<2048x768xf32>
      %swap3A = arith.constant 0 : index
      %swap3A_198 = arith.constant 0 : index
      %swap3A_199 = vector.load %arg11[%swap3A, %swap3A_198] : memref<2048x768xf32, #tpu.memory_space<vmem>>, vector<2048x768xf32>
      tpu.vector_store %arg11[%swap3A, %swap3A_198], %add3A_197 {strides = array<i32>} : memref<2048x768xf32, #tpu.memory_space<vmem>>, vector<2048x768xf32>,
    } else {
    }
    %eq3A_184 = arith.constant 7 : i32
    %eq3A_185 = arith.cmpi eq, %arg0, %eq3A_184 : i32
    %eq3A_186 = arith.constant 0 : i32
    %eq3A_187 = arith.cmpi eq, %arg1, %eq3A_186 : i32
    %and3A_188 = arith.andi %eq3A_185, %eq3A_187 : i1
    %convert_element_type3A_189 = arith.extui %and3A_188 : i1 to i32
    %cond3A_190 = arith.constant 0 : i32
    %cond3A_191 = arith.cmpi ne, %convert_element_type3A_189, %cond3A_190 : i32
    scf.if %cond3A_191 {
      %get3A_192 = arith.constant 0 : index
      %get3A_193 = arith.constant 0 : index
      %get3A_194 = vector.load %arg11[%get3A_192, %get3A_193] : memref<2048x768xf32, #tpu.memory_space<vmem>>, vector<2048x768xf32>
      %convert_element_type3A_195 = arith.truncf %get3A_194 : vector<2048x768xf32> to vector<2048x768xbf16>
      %get3A_196 = arith.constant 0 : index
      %get3A_197 = arith.constant 0 : index
      %get3A_198 = vector.load %arg8[%get3A_196, %get3A_197] : memref<768x256xbf16, #tpu.memory_space<vmem>>, vector<768x256xbf16>
      %dot_general3A_199 = arith.constant dense<0.000000e+00> : vector<2048x256xf32>
      %dot_general3A_200 = tpu.matmul %convert_element_type3A_195, %get3A_198, %dot_general3A_199 {dimension_numbers = #tpu.dot_dimension_numbers<[1], [0], [0], [1], [0, 0, 1, 1], [], []>, transpose_lhs_hint = false} : vector<2048x768xbf16>, vector<768x256xbf16>, vector<2048x256xf32> -> vector<2048x256xf32>
      %get3A_201 = arith.constant 0 : index
      %get3A_202 = arith.constant 0 : index
      %get3A_203 = vector.load %arg9[%get3A_201, %get3A_202] : memref<1x256xf32, #tpu.memory_space<vmem>>, vector<1x256xf32>
      %add3A_204 = vector.broadcast %get3A_203 : vector<1x256xf32> to vector<2048x256xf32>
      %add3A_205 = arith.addf %dot_general3A_200, %add3A_204 : vector<2048x256xf32>
      %swap3A = arith.constant 0 : index
      %swap3A_206 = arith.constant 0 : index
      %swap3A_207 = vector.load %arg10[%swap3A, %swap3A_206] : memref<2048x256xf32, #tpu.memory_space<vmem>>, vector<2048x256xf32>
      tpu.vector_store %arg10[%swap3A, %swap3A_206], %add3A_205 {strides = array<i32>} : memref<2048x256xf32, #tpu.memory_space<vmem>>, vector<2048x256xf32>,
    } else {
    }
    return
  }
  func.func @transform_0(%arg0: i32, %arg1: i32) -> (i32, i32) {
    %c0_i32 = arith.constant 0 : i32
    %c0_i32_0 = arith.constant 0 : i32
    %c0_i32_1 = arith.constant 0 : i32
    return %c0_i32, %c0_i32_0 : i32, i32
  }
  func.func @transform_1(%arg0: i32, %arg1: i32) -> (i32, i32) {
    %c0_i32 = arith.constant 0 : i32
    %c0_i32_0 = arith.constant 0 : i32
    %c0_i32_1 = arith.constant 0 : i32
    return %c0_i32, %c0_i32_0 : i32, i32
  }
  func.func @transform_2(%arg0: i32, %arg1: i32) -> (i32, i32, i32) {
    %c0_i32 = arith.constant 0 : i32
    %c0_i32_0 = arith.constant 0 : i32
    return %arg0, %c0_i32, %arg1 : i32, i32, i32
  }
  func.func @transform_3(%arg0: i32, %arg1: i32) -> (i32, i32, i32) {
    %c0_i32 = arith.constant 0 : i32
    %c0_i32_0 = arith.constant 0 : i32
    return %arg0, %c0_i32, %arg1 : i32, i32, i32
  }
  func.func @transform_4(%arg0: i32, %arg1: i32) -> (i32, i32, i32) {
    %c0_i32 = arith.constant 0 : i32
    %c0_i32_0 = arith.constant 0 : i32
    return %arg0, %arg1, %c0_i32 : i32, i32, i32
  }
  func.func @transform_5(%arg0: i32, %arg1: i32) -> (i32, i32, i32) {
    %c0_i32 = arith.constant 0 : i32
    %c0_i32_0 = arith.constant 0 : i32
    %c0_i32_1 = arith.constant 0 : i32
    return %arg0, %c0_i32, %c0_i32_0 : i32, i32, i32
  }
  func.func @transform_6(%arg0: i32, %arg1: i32) -> (i32, i32) {
    %c0_i32 = arith.constant 0 : i32
    %c0_i32_0 = arith.constant 0 : i32
    %c0_i32_1 = arith.constant 0 : i32
    return %c0_i32, %c0_i32_0 : i32, i32
  }
  func.func @transform_7(%arg0: i32, %arg1: i32) -> (i32, i32) {
    %c0_i32 = arith.constant 0 : i32
    %c0_i32_0 = arith.constant 0 : i32
    %c0_i32_1 = arith.constant 0 : i32
    return %c0_i32, %c0_i32_0 : i32, i32
  }
  func.func @transform_8(%arg0: i32, %arg1: i32) -> (i32, i32) {
    %c0_i32 = arith.constant 0 : i32
    %c0_i32_0 = arith.constant 0 : i32
    %c0_i32_1 = arith.constant 0 : i32
    return %c0_i32, %c0_i32_0 : i32, i32
  }
}

</mosaic_0001>

<sc_bundles>
// kernel: kernel.5.cloned.1.call-start
scs
__scs_entry_jumppad:
0x0: {  	(pc) =	sbr.rel $0x88, $3  }
0x1: {  	(tag) =	ssettag $0x0;
	lr =	simm.s32 $0x1  }
0x2: {  	[smem:$0x3F93] =	sst lr;
	_ =	strace $0xD0000000  }
0x3: {  	_ = 	snop  }
0x4: {  	_ = 	snop  }
0x5: {  	_ = 	snop  }
0x6: {  	_ = 	snop  }
0x7: {  	_ = 	snop  }
__scs_overlays_trampoline_lowered:
0x8: {  	[smem:$0x3FA2] =	sst s0  }
0x9: {  	[smem:$0x3FA3] =	sst s1  }
0xa: {  	[smem:$0x3FA4] =	sst s2  }
0xb: {  	[smem:$0x3FA5] =	sst s3  }
0xc: {  	[smem:$0x3FA6] =	sst s4  }
0xd: {  	[smem:$0x3FA7] =	sst s5  }
0xe: {  	[smem:$0x3FA8] =	sst s6  }
0xf: {  	[smem:$0x3FA9] =	sst s7  }
0x10: {  	[smem:$0x3FAA] =	sst s8  }
0x11: {  	[smem:$0x3FAB] =	sst s9;
	s0 =	simm.s32 @!p0 $0x0  }
0x12: {  	s1 =	sld [smem:$0x3F91];
	s0 =	simm.s32 @p0 $0x1  }
0x13: {  	[smem:$0x3FAC] =	sst s0;
	s0 =	simm.s32 @!p1 $0x0  }
0x14: {  	s2 =	sld [smem:$0x3F90];
	s0 =	simm.s32 @p1 $0x1  }
0x15: {  	[smem:$0x3FAD] =	sst s0;
	s0 =	simm.s32 @!p2 $0x0  }
0x16: {  	s3 =	sld [smem:$0x3FDB];
	s0 =	simm.s32 @p2 $0x1  }
0x17: {  	s4 =	simm.s32 $0x1BF5;
	[smem:$0x3FAF] =	sst s0  }
0x18: {  	s0 =	sld [smem:$0x3F92];
	_ =	swait.ge [sflag:s4], $0x0  }
0x19: {  	s7 =	sld [smem:$0x3F93]  }
0x1a: {  	s8 =	sadd.s32 $0xFFFFE003, lr  }
0x1b: {  	s9 =	sadd.s32 $0xFFFFFEF7, lr;
	s5 =	simm.s32 $0xFFFFFFFF;
	p2 =	slt.u32 s8, $0xFFFFF086  }
0x1c: {  	p1 =	slt.u32 s9, $0xF7A;
	s5 =	simm.s32 @!p2 $0x0  }
0x1d: {  	s5 =	simm.s32 @p1 $0x1;
	p0 =	seq.s32 s7, s2  }
0x1e: {  	s7 =	smul.u32 @!p0 $0xF7A, s2;
	p2 =	seq.s32 @!p0 s5, $0x0  }
0x1f: {  	s9 =	smul.u32 $0xF7A, s1;
	s8 =	simm.s32 @!p0 $0x1BF5;
	p2 =	por !p2, p0  }
0x20: {  	[sflag:s8] =	ssyncset.s32 @!p0 $0xFFFFF086;
	s6 =	sadd.s32 @!p0 s3, s7;
	s7 =	simm.s32 @!p0 $0x108  }
0x21: {  	s3 =	sadd.s32 s3, s9;
	s6 =	sadd.s32 @!p0 $0x88, s6;
	s7 =	simm.s32 @p2 $0x1082  }
0x22: {  	[simem:s7], [sflag:s8] =	dma.local @!p0 [hbm:s6], $0xF7A  }
0x23: {  	s9 =	sor.u32 $0xD0000000, s2;
	s6 =	simm.s32 $0x108;
	_ =	swait.ge @!p0 [sflag:s8], $0x0  }
0x24: {  	s3 =	sadd.s32 $0x88, s3;
	s6 =	simm.s32 @!p1 $0x1082;
	[sflag:s4] =	ssyncset.s32 $0xFFFFF086  }
0x25: {  	[simem:s6], [sflag:s4] =	dma.local [hbm:s3], $0xF7A  }
0x26: {  	[smem:$0x3F93] =	sst s1;
	(tag) =	ssettag s2;
	_ =	strace s9  }
0x27: {  	s1 =	sld [smem:$0x3FA3]  }
0x28: {  	s2 =	sld [smem:$0x3FA4]  }
0x29: {  	s4 =	sld [smem:$0x3FA6]  }
0x2a: {  	p0 =	seq.s32 s5, $0x0;
	s5 =	sld [smem:$0x3FA7]  }
0x2b: {  	s6 =	sld [smem:$0x3FA8]  }
0x2c: {  	s7 =	sld [smem:$0x3FA9]  }
0x2d: {  	s3 =	simm.s32 $0x108;
	s8 =	sld [smem:$0x3FAA]  }
0x2e: {  	s3 =	simm.s32 @!p0 $0x1082;
	s9 =	sld [smem:$0x3FAB]  }
0x2f: {  	lr =	sadd.s32 s0, s3;
	s0 =	sld [smem:$0x3FA2]  }
0x30: {  	s3 =	sld [smem:$0x3FA5]  }
0x31: {  	[smem:$0x3FAE] =	sst s10  }
0x32: {  	s10 =	sld [smem:$0x3FAC];
	_ =	sdelay $0x3  }
0x33: {  	p0 =	seq.s32 s10, $0x1;
	s10 =	sld [smem:$0x3FAE];
	_ =	sdelay $0x3  }
0x34: {  	[smem:$0x3FAE] =	sst s10  }
0x35: {  	s10 =	sld [smem:$0x3FAD];
	_ =	sdelay $0x3  }
0x36: {  	p1 =	seq.s32 s10, $0x1;
	s10 =	sld [smem:$0x3FAE];
	_ =	sdelay $0x3  }
0x37: {  	[smem:$0x3FAE] =	sst s10  }
0x38: {  	s10 =	sld [smem:$0x3FAF]  }
0x39: {  	_ = 	snop;
	(pc) =	sbr.ind lr, $3  }
0x3a: {  	_ = 	snop  }
0x3b: {  	_ = 	snop  }
0x3c: {  	p2 =	seq.s32 s10, $0x1;
	s10 =	sld [smem:$0x3FAE]  }
0x3d: {  	_ =	shalt  }
0x3e: {  	_ =	shalt  }
0x3f: {  	_ =	shalt  }
0x40: {  	_ =	shalt  }
0x41: {  	_ =	shalt  }
0x42: {  	_ =	shalt  }
0x43: {  	_ =	shalt  }
0x44: {  	_ =	shalt  }
0x45: {  	_ =	shalt  }
0x46: {  	_ =	shalt  }
0x47: {  	_ =	shalt  }
0x48: {  	_ =	shalt  }
0x49: {  	_ =	shalt  }
0x4a: {  	_ =	shalt  }
0x4b: {  	_ =	shalt  }
0x4c: {  	_ =	shalt  }
0x4d: {  	_ =	shalt  }
0x4e: {  	_ =	shalt  }
0x4f: {  	_ =	shalt  }
0x50: {  	_ =	shalt  }
0x51: {  	_ =	shalt  }
0x52: {  	_ =	shalt  }
0x53: {  	_ =	shalt  }
0x54: {  	_ =	shalt  }
0x55: {  	_ =	shalt  }
0x56: {  	_ =	shalt  }
0x57: {  	_ =	shalt  }
0x58: {  	_ =	shalt  }
0x59: {  	_ =	shalt  }
0x5a: {  	_ =	shalt  }
0x5b: {  	_ =	shalt  }
0x5c: {  	_ =	shalt  }
0x5d: {  	_ =	shalt  }
0x5e: {  	_ =	shalt  }
0x5f: {  	_ =	shalt  }
0x60: {  	_ =	shalt  }
0x61: {  	_ =	shalt  }
0x62: {  	_ =	shalt  }
0x63: {  	_ =	shalt  }
0x64: {  	_ =	shalt  }
0x65: {  	_ =	shalt  }
0x66: {  	_ =	shalt  }
0x67: {  	_ =	shalt  }
0x68: {  	_ =	shalt  }
0x69: {  	_ =	shalt  }
0x6a: {  	_ =	shalt  }
0x6b: {  	_ =	shalt  }
0x6c: {  	_ =	shalt  }
0x6d: {  	_ =	shalt  }
0x6e: {  	_ =	shalt  }
0x6f: {  	_ =	shalt  }
0x70: {  	_ =	shalt  }
0x71: {  	_ =	shalt  }
0x72: {  	_ =	shalt  }
0x73: {  	_ =	shalt  }
0x74: {  	_ =	shalt  }
0x75: {  	_ =	shalt  }
0x76: {  	_ =	shalt  }
0x77: {  	_ =	shalt  }
0x78: {  	_ =	shalt  }
0x79: {  	_ =	shalt  }
0x7a: {  	_ =	shalt  }
0x7b: {  	_ =	shalt  }
0x7c: {  	_ =	shalt  }
0x7d: {  	_ =	shalt  }
0x7e: {  	_ =	shalt  }
0x7f: {  	_ =	shalt  }
0x80: {  	_ =	shalt  }
0x81: {  	_ =	shalt  }
0x82: {  	_ =	shalt  }
0x83: {  	_ =	shalt  }
0x84: {  	_ =	shalt  }
0x85: {  	_ =	shalt  }
0x86: {  	_ =	shalt  }
0x87: {  	_ =	shalt  }
.Lfunc_end0:
.L_simem_size_0:
called_computation_lowered:
.L_overlay_start_0:
0x88: {  	s2 =	sld [smem:$0x3FD9]  }
0x89: {  	s3 =	sld [smem:$0x3FFE];
	_ =	sdelay $0x1  }
0x8a: {  	s1 =	srdreg.scid  }
0x8b: {  	s0 =	sand.u32 $0x1, s1  }
0x8c: {  	s17 =	sshll.u32 s0, $0xA;
	s2 =	sadd.s32 s3, s2  }
0x8d: {  	s2 =	sadd.s32 s2, s17  }
0x8e: {  	[smem:$0x3FBA] =	sst s2  }
0x8f: {  	_ = 	snop  }
0x90: {  	s2 =	sld [smem:$0x3FC9]  }
0x91: {  	s18 =	sld [smem:$0x3FC8];
	(tm) =	ssettm $0x1  }
0x92: {  	s4 =	sld [smem:$0x3FFB];
	_ =	sdelay $0x3  }
0x93: {  	_ =	strace s4  }
0x94: {  	s4 =	sld [smem:$0x3FFC];
	_ =	sdelay $0x3  }
0x95: {  	_ =	strace s4  }
0x96: {  	s4 =	sld [smem:$0x3FFD];
	_ =	sdelay $0x3  }
0x97: {  	_ =	strace s4  }
0x98: {  	_ =	strace $0x8FFFFFFF  }
0x99: {  	s19 =	sld [smem:$0x3FDB];
	_ =	sdelay $0x1  }
0x9a: {  	s5 =	simm.s32 $_scs_section_size  }
0x9b: {  	s6 =	simm.s32 $_size__tile_overlayer_lowered;
	s7 =	simm.s32 $_tile_overlayer_lowered  }
0x9c: {  	s22 =	simm.s32 $0x1BFF;
	s21 =	sshll.u32 s7, $0x1;
	s4 =	sadd.s32 s5, s19  }
0x9d: {  	s8 =	simm.s32 $0x0;
	s20 =	sshll.u32 s6, $0x1;
	s6 =	sadd.s32 s21, s4  }
0x9e: {  	[timem:s8], [sflag:s22] =	dma.local [hbm:s6], s20  }
0x9f: {  	_ =	swait.ge [sflag:s22], s20  }
0xa0: {  	s5 =	ssub.s32 $0x0, s20;
	[sflag:s22] =	ssyncset.done $0x0  }
0xa1: {  	[sflag:s22] =	ssyncadd.s32 s5;
	_ =	sdelay $0x1  }
0xa2: {  	s23 =	simm.s32 $0x1B8B  }
0xa3: {  	_ =	swait.ge [sflag:s23], $0x1  }
0xa4: {  	[sflag:s23] =	ssyncset.done $0x0  }
0xa5: {  	s25 =	simm.s32 $0x1B8E;
	s24 =	sld [smem:$0x3FFE];
	[sflag:s23] =	ssyncadd.s32 $0xFFFFFFFF  }
0xa6: {  	s26 =	simm.s32 $execute0_lowered;
	[smem:$0x3FD2] =	sst s25  }
0xa7: {  	s6 =	sshll.u32 s26, $0x1;
	_ =	strace $0x80000046;
	[dreg:$0x1] =	wrdreg $0xFFFFFFFF  }
0xa8: {  	s28 =	simm.s32 $_size_execute0_lowered;
	s4 =	sadd.s32 s4, s6;
	[dreg:$0x0] =	wrdreg $0x0  }
0xa9: {  	s6 =	sshll.u32 s28, $0x1;
	[dreg:$0x2] =	wrdreg s4  }
0xaa: {  	[dreg:$0x3] =	wrdreg s6  }
0xab: {  	[dreg:$0x4] =	wrdreg $0xC0  }
0xac: {  	_ =	task [dreg:s8], $0x5FFFF  }
0xad: {  	[dreg:$0x1] =	wrdreg $0xFFFFFFFF  }
0xae: {  	[dreg:$0x0] =	wrdreg $0x60  }
0xaf: {  	[dreg:$0x2] =	wrdreg s2  }
0xb0: {  	[dreg:$0x3] =	wrdreg s18  }
0xb1: {  	[dreg:$0x4] =	wrdreg s24  }
0xb2: {  	[dreg:$0x5] =	wrdreg $0x9  }
0xb3: {  	_ =	task.clear_ibuf [dreg:s8], $0x6FFFF;
	_ =	strace $0x90000046  }
0xb4: {  	s29 =	simm.s32 $0x9;
	_ =	strace $0x80000048  }
0xb5: {  	_ =	swait.ge [sflag:s29], $0x1  }
0xb6: {  	[sflag:s29] =	ssyncadd.s32 $0xFFFFFFFF  }
0xb7: {  	_ =	strace $0x90000048  }
0xb8: {  	_ =	sfence  }
0xb9: {  	s30 =	sld [smem:$0x0];
	_ =	sdelay $0x2  }
0xba: {  	s31 =	sshll.u32 s1, $0xD;
	s1 =	sshrl.u32 s1, $0x2  }
0xbb: {  	s3 =	sand.u32 $0x4000, s31;
	s1 =	sadd.s32 s1, s30  }
0xbc: {  	s0 =	sor.u32 s3, s0;
	s1 =	sshll.u32 s1, $0x11  }
0xbd: {  	s0 =	sor.u32 s1, s0  }
0xbe: {  	s0 =	sadd.s32 $0x8F2B, s0  }
0xbf: {  	[sflag:s0] =	ssyncadd.remote.s32 $0x1  }
0xc0: {  	_ =	sfence.sel $0xFFFF  }
0xc1: {  	[dreg:$0x0] =	wrdreg $0xFFFFFFFF;
	(pc) =	sbr.abs _section_cstart, $3  }
0xc2: {  	[dreg:$0x1] =	wrdreg $0xFFFFFFFF  }
0xc3: {  	_ =	task.clear_ibuf [dreg:s8], $0x2FFFF;
	_ =	strace $0x9FFFFFFF  }
0xc4: {  	(tm) =	ssettm $0x7FFFFFFF  }
0xc5: {  	_ =	shalt  }
tec
execute0_lowered:
.L_overlay_start_1:
0x0: {  	(tag) =	ssettag $0x1  }
0x1: {  	s1 =	rddreg [dreg:$0x0]  }
0x2: {  	s3 =	srdreg.scid;
	s2 =	rddreg [dreg:$0x1]  }
0x3: {  	s0 =	stileid.u32;
	s5 =	rddreg [dreg:$0x2];
	s26 =	simm.s32 $0x880  }
0x4: {  	s9 =	simm.s32 $0x1080;
	s10 =	simm.s32 $0x1880;
	s11 =	simm.s32 $0x2080  }
0x5: {  	s12 =	simm.s32 $0x2880;
	s13 =	simm.s32 $0x3080;
	s14 =	simm.s32 $0x3880  }
0x6: {  	s15 =	simm.s32 $0x4080;
	s16 =	simm.s32 $0x4880;
	s17 =	simm.s32 $0x5080  }
0x7: {  	s18 =	simm.s32 $0x5880;
	s19 =	simm.s32 $0x6080;
	s20 =	simm.s32 $0x6880  }
0x8: {  	s21 =	simm.s32 $0x7080;
	s22 =	simm.s32 $0x7880;
	s23 =	simm.s32 $0x8080  }
0x9: {  	s28 =	simm.s32 $0xA080;
	s29 =	simm.s32 $0xA880;
	s30 =	simm.s32 $0xB080  }
0xa: {  	s31 =	simm.s32 $0xB880;
	s4 =	sand.u32 $0x1, s3;
	s3 =	simm.s32 $0x0  }
0xb: {  	s6 =	sshll.u32 s0, $0x4;
	s7 =	sshll.u32 s4, $0x3;
	[smem:$0x7FF] =	sst s3  }
0xc: {  	s4 =	ssub.s32 $0x2, s4;
	s6 =	sor.u32 s7, s6;
	_ =	strace $0x80000047  }
0xd: {  	s8 =	sshrl.u32 s4, $0x1;
	[dreg:$0x6] =	wrdreg s26;
	s26 =	simm.s32 $0x9880  }
0xe: {  	s7 =	smul.u32 $0x300, s6;
	s24 =	ssub.s32 s4, s8;
	s1 =	sadd.s32 s1, s6  }
0xf: {  	s4 =	sadd.s32 $0x100, s2;
	s8 =	simm.s32 $0x80;
	[dreg:$0x4] =	wrdreg s1  }
0x10: {  	v2 =	vlaneseq.u32;
	s6 =	smax.u32 s24, $0x1;
	s24 =	simm.s32 $0x8880;
	s5 =	sadd.s32 s7, s5  }
0x11: {  	vm0 =	vmmov $0xffff;
	v1 =	vshrl.u32 v2, $0x3;
	s1 =	simm.s32 $0x1;
	s7 =	simm.s32 $0x2;
	s25 =	sadd.s32 $0x1200, s5  }
0x12: {  	v0 =	vand.u32 $0x7, v2;
	v2 =	vor.u32 $0x8, v2;
	v1 =	vmul.u32 $0x8, v1;
	s5 =	sadd.s32 $0x200, s2;
	[dreg:$0x5] =	wrdreg s25;
	s25 =	simm.s32 $0x9080  }
.LBB2_1:
0x13: {  	s0 =	rddreg [dreg:$0x4]  }
0x14: {  	[tilespmem:s3], [sflag:$0x2] =	stream.linear.gather [hbm4b:s0+s3], $0x40, $0x38;
	[tilespmem:$0xC080] =	vst v63  }
0x15: {  	_ =	swait.ge [sflag:s7], $0x40  }
0x16: {  	[sflag:s7] =	ssyncset.done $0x0  }
0x17: {  	[sflag:s7] =	ssyncadd.s32 $0xFFFFFFC0  }
0x18: {  	v3 =	vld [tilespmem:$0x0];
	_ =	sdelay $0x4  }
0x19: {  	v4 =	vshrl.u32 v3, $0x3  }
0x1a: {  	v4 =	vmul.u32 $0x30, v4  }
0x1b: {  	v3 =	vand.u32 $0x7, v3  }
0x1c: {  	v3 =	vor.u32 v3, v4  }
0x1d: {  	v4 =	vperm.xlane v3, v0;
	_ =	sdelay $0x1  }
0x1e: {  	v4 =	vadd.s32 v1, v4;
	_ =	sdelay $0x3  }
0x1f: {  	v3 =	vperm.xlane v3, v2  }
0x20: {  	[tilespmem:s8], [sflag:$0x1] =	stream.indirect_vreg.gather [hbm4b:s2+s3], $0x80, v4, vm0, $0xb8;
	[tilespmem:$0xC080] =	vst v63  }
0x21: {  	s0 =	rddreg [dreg:$0x6];
	v3 =	vadd.s32 v1, v3  }
0x22: {  	[tilespmem:s0], [sflag:$0x1] =	stream.indirect_vreg.gather [hbm4b:s4+s3], $0x80, v4, vm0, $0xb8;
	[tilespmem:$0xC080] =	vst v63  }
0x23: {  	_ = 	snop  }
0x24: {  	[tilespmem:s9], [sflag:$0x1] =	stream.indirect_vreg.gather [hbm4b:s5+s3], $0x80, v4, vm0, $0xb8;
	[tilespmem:$0xC080] =	vst v63  }
0x25: {  	_ = 	snop  }
0x26: {  	[tilespmem:s10], [sflag:$0x1] =	stream.indirect_vreg.gather [hbm4b:s2+s3], $0x80, v3, vm0, $0xb8;
	[tilespmem:$0xC080] =	vst v63  }
0x27: {  	_ = 	snop  }
0x28: {  	[tilespmem:s11], [sflag:$0x1] =	stream.indirect_vreg.gather [hbm4b:s4+s3], $0x80, v3, vm0, $0xb8;
	[tilespmem:$0xC080] =	vst v63  }
0x29: {  	_ = 	snop  }
0x2a: {  	[tilespmem:s12], [sflag:$0x1] =	stream.indirect_vreg.gather [hbm4b:s5+s3], $0x80, v3, vm0, $0xb8;
	[tilespmem:$0xC080] =	vst v63  }
0x2b: {  	v3 =	vld [tilespmem:$0x10];
	_ =	sdelay $0x4  }
0x2c: {  	v61 =	vshrl.u32 v3, $0x3  }
0x2d: {  	v4 =	vmul.u32 $0x30, v61  }
0x2e: {  	v3 =	vand.u32 $0x7, v3  }
0x2f: {  	v3 =	vor.u32 v3, v4  }
0x30: {  	v4 =	vperm.xlane v3, v0;
	_ =	sdelay $0x1  }
0x31: {  	v4 =	vadd.s32 v1, v4;
	_ =	sdelay $0x3  }
0x32: {  	v3 =	vperm.xlane v3, v2  }
0x33: {  	[tilespmem:s13], [sflag:$0x1] =	stream.indirect_vreg.gather [hbm4b:s2+s3], $0x80, v4, vm0, $0xb8;
	[tilespmem:$0xC080] =	vst v63  }
0x34: {  	v3 =	vadd.s32 v1, v3  }
0x35: {  	[tilespmem:s14], [sflag:$0x1] =	stream.indirect_vreg.gather [hbm4b:s4+s3], $0x80, v4, vm0, $0xb8;
	[tilespmem:$0xC080] =	vst v63  }
0x36: {  	_ = 	snop  }
0x37: {  	[tilespmem:s15], [sflag:$0x1] =	stream.indirect_vreg.gather [hbm4b:s5+s3], $0x80, v4, vm0, $0xb8;
	[tilespmem:$0xC080] =	vst v63  }
0x38: {  	_ = 	snop  }
0x39: {  	[tilespmem:s16], [sflag:$0x1] =	stream.indirect_vreg.gather [hbm4b:s2+s3], $0x80, v3, vm0, $0xb8;
	[tilespmem:$0xC080] =	vst v63  }
0x3a: {  	_ = 	snop  }
0x3b: {  	[tilespmem:s17], [sflag:$0x1] =	stream.indirect_vreg.gather [hbm4b:s4+s3], $0x80, v3, vm0, $0xb8;
	[tilespmem:$0xC080] =	vst v63  }
0x3c: {  	_ = 	snop  }
0x3d: {  	[tilespmem:s18], [sflag:$0x1] =	stream.indirect_vreg.gather [hbm4b:s5+s3], $0x80, v3, vm0, $0xb8;
	[tilespmem:$0xC080] =	vst v63  }
0x3e: {  	v3 =	vld [tilespmem:$0x20];
	_ =	sdelay $0x4  }
0x3f: {  	v62 =	vshrl.u32 v3, $0x3  }
0x40: {  	v4 =	vmul.u32 $0x30, v62  }
0x41: {  	v3 =	vand.u32 $0x7, v3  }
0x42: {  	v3 =	vor.u32 v3, v4  }
0x43: {  	v4 =	vperm.xlane v3, v0;
	_ =	sdelay $0x1  }
0x44: {  	v4 =	vadd.s32 v1, v4;
	_ =	sdelay $0x3  }
0x45: {  	v3 =	vperm.xlane v3, v2  }
0x46: {  	[tilespmem:s19], [sflag:$0x1] =	stream.indirect_vreg.gather [hbm4b:s2+s3], $0x80, v4, vm0, $0xb8;
	[tilespmem:$0xC080] =	vst v63  }
0x47: {  	v3 =	vadd.s32 v1, v3  }
0x48: {  	[tilespmem:s20], [sflag:$0x1] =	stream.indirect_vreg.gather [hbm4b:s4+s3], $0x80, v4, vm0, $0xb8;
	[tilespmem:$0xC080] =	vst v63  }
0x49: {  	_ = 	snop  }
0x4a: {  	[tilespmem:s21], [sflag:$0x1] =	stream.indirect_vreg.gather [hbm4b:s5+s3], $0x80, v4, vm0, $0xb8;
	[tilespmem:$0xC080] =	vst v63  }
0x4b: {  	_ = 	snop  }
0x4c: {  	[tilespmem:s22], [sflag:$0x1] =	stream.indirect_vreg.gather [hbm4b:s2+s3], $0x80, v3, vm0, $0xb8;
	[tilespmem:$0xC080] =	vst v63  }
0x4d: {  	_ = 	snop  }
0x4e: {  	[tilespmem:s23], [sflag:$0x1] =	stream.indirect_vreg.gather [hbm4b:s4+s3], $0x80, v3, vm0, $0xb8;
	[tilespmem:$0xC080] =	vst v63  }
0x4f: {  	_ = 	snop  }
0x50: {  	[tilespmem:s24], [sflag:$0x1] =	stream.indirect_vreg.gather [hbm4b:s5+s3], $0x80, v3, vm0, $0xb8;
	[tilespmem:$0xC080] =	vst v63  }
0x51: {  	v3 =	vld [tilespmem:$0x30];
	_ =	sdelay $0x4  }
0x52: {  	v63 =	vshrl.u32 v3, $0x3  }
0x53: {  	v4 =	vmul.u32 $0x30, v63  }
0x54: {  	v3 =	vand.u32 $0x7, v3  }
0x55: {  	v3 =	vor.u32 v3, v4  }
0x56: {  	v4 =	vperm.xlane v3, v0;
	_ =	sdelay $0x1  }
0x57: {  	v4 =	vadd.s32 v1, v4;
	_ =	sdelay $0x3  }
0x58: {  	v3 =	vperm.xlane v3, v2  }
0x59: {  	[tilespmem:s25], [sflag:$0x1] =	stream.indirect_vreg.gather [hbm4b:s2+s3], $0x80, v4, vm0, $0xb8;
	[tilespmem:$0xC080] =	vst v63  }
0x5a: {  	v3 =	vadd.s32 v1, v3  }
0x5b: {  	[tilespmem:s26], [sflag:$0x1] =	stream.indirect_vreg.gather [hbm4b:s4+s3], $0x80, v4, vm0, $0xb8;
	[tilespmem:$0xC080] =	vst v63  }
0x5c: {  	_ = 	snop  }
0x5d: {  	[tilespmem:s28], [sflag:$0x1] =	stream.indirect_vreg.gather [hbm4b:s5+s3], $0x80, v4, vm0, $0xb8;
	[tilespmem:$0xC080] =	vst v63  }
0x5e: {  	_ = 	snop  }
0x5f: {  	[tilespmem:s29], [sflag:$0x1] =	stream.indirect_vreg.gather [hbm4b:s2+s3], $0x80, v3, vm0, $0xb8;
	[tilespmem:$0xC080] =	vst v63  }
0x60: {  	_ = 	snop  }
0x61: {  	[tilespmem:s30], [sflag:$0x1] =	stream.indirect_vreg.gather [hbm4b:s4+s3], $0x80, v3, vm0, $0xb8;
	[tilespmem:$0xC080] =	vst v63  }
0x62: {  	_ = 	snop  }
0x63: {  	[tilespmem:s31], [sflag:$0x1] =	stream.indirect_vreg.gather [hbm4b:s5+s3], $0x80, v3, vm0, $0xb8;
	[tilespmem:$0xC080] =	vst v63  }
0x64: {  	_ =	swait.ge [sflag:s1], $0xC000  }
0x65: {  	p0 =	sne.s32 s6, $0x1;
	[sflag:s1] =	ssyncset.done $0x0  }
.Ltmp0:
0x66: {  	s0 =	rddreg [dreg:$0x5];
	[sflag:s1] =	ssyncadd.s32 $0xFFFF4000;
	(pc) =	sbr.rel @p0 .LBB2_1-.Ltmp0, $4  }
0x67: {  	[hbm4b:s0+s3] =	stream.linear.scatter [tilespmem:s8], [sflag:$0x2], $0xC000, $0x38;
	[tilespmem:$0xC080] =	vst v63  }
0x68: {  	_ =	swait.ge [sflag:s7], $0xC000  }
0x69: {  	[sflag:s7] =	ssyncset.done $0x0  }
0x6a: {  	s6 =	sadd.s32 $0xFFFFFFFF, s6;
	[sflag:s7] =	ssyncadd.s32 $0xFFFF4000  }
0x6b: {  	_ =	sfence.sel $0x180000  }
0x6c: {  	[bflag:$0x0] =	sbarrier.arrive $0xFFFF  }
0x6d: {  	_ =	strace $0x90000047  }
0x6e: {  	s0 =	stileid.u32;
	[bflag:$0x2] =	sbarrier.arrive $0xFFFF  }
0x6f: {  	p0 =	sne.s32 s0, $0x0;
	s0 =	rddreg [dreg:$0x3]  }
0x70: {  	s0 =	sadd.s32 @!p0 $0x100000, s0  }
0x71: {  	[sflag:s0] =	ssyncadd.tile.s32 @!p0 $0x1;
	_ =	shalt  }
.Lfunc_end2:
_tile_overlayer_lowered:
.L_overlay_start_2:
0x72: {  	(tag) =	ssettag $0x2  }
0x73: {  	s0 =	rddreg [dreg:$0x0];
	s2 =	stileid.u32  }
0x74: {  	s1 =	rddreg [dreg:$0x1];
	p0 =	sne.s32 s2, $0x0  }
0x75: {  	s3 =	rddreg [dreg:$0x2];
	[bflag:$0x3] =	sbarrier.arrive $0xFFFF;
	s2 =	simm.s32 @!p0 $0x1C02  }
0x76: {  	[timem:s3], [sflag:s2] =	dma.local @!p0 [hbm:s0], s1  }
0x77: {  	s0 =	simm.s32 @!p0 $0x2  }
0x78: {  	_ =	swait.ge @!p0 [sflag:s0], s1  }
0x79: {  	s1 =	ssub.s32 @!p0 $0x0, s1;
	[sflag:s0] =	ssyncset.done @!p0 $0x0  }
0x7a: {  	[sflag:s0] =	ssyncadd.s32 @!p0 s1  }
0x7b: {  	[bflag:$0x3] =	sbarrier.arrive $0xFFFF  }
0x7c: {  	_ =	shalt  }

</sc_bundles>
